<compile_context>
chip_gen: v7x
topology: tpu7x:2x2x1
jax: 0.10.2.dev20260603
libtpu: 0.0.44.dev20260713+nightly
codegen_flags: <defaults>
</compile_context>

<pallas_src>
import functools

import jax
import jax.numpy as jnp
from jax import lax
from jax.experimental import pallas as pl
from jax.experimental.pallas import tpu as pltpu
from jax.experimental.pallas import tpu_sc as plsc

N = 19
E = 342
D = 512
_NCHUNK = (E + 15) // 16
_EPAD = _NCHUNK * 16


def _pair_logits(xl, xr, a2d):
    f32 = jnp.float32
    u = jax.lax.dot_general(a2d, xl, (((1,), (1,)), ((), ())),
                            preferred_element_type=f32)
    v = jax.lax.dot_general(a2d, xr, (((1,), (1,)), ((), ())),
                            preferred_element_type=f32)
    rows = []
    for s in range(N):
        az = jnp.abs(xl[s:s + 1, :] + xr)
        w = jax.lax.dot_general(a2d, az, (((1,), (1,)), ((), ())),
                                preferred_element_type=f32)
        rows.append(0.6 * (u[0:1, s:s + 1] + v) + 0.4 * w)
    return jnp.concatenate(rows, axis=0)


def _tc_fused(x_ref, ei_ref, mmse_ref, wl1_ref, wr1_ref, a1_ref, b1_ref,
              wl2_ref, wr2_ref, a2_ref, b2_ref, wm_ref, bm_ref,
              comp_ref, alpha2d_ref):
    f32 = jnp.float32
    src = ei_ref[0:1, :]
    dst = ei_ref[1:2, :]
    iota_ne = jax.lax.broadcasted_iota(jnp.int32, (N, E), 0)
    s_oh = (iota_ne == src).astype(f32)
    d_oh = (iota_ne == dst).astype(f32)
    c2 = jax.lax.dot_general(s_oh, d_oh, (((1,), (1,)), ((), ())),
                             preferred_element_type=f32)
    has = c2 > 0.0

    def gatv2(h, wl, wr, a, b):
        xl = jnp.dot(h, wl, preferred_element_type=f32)
        xr = jnp.dot(h, wr, preferred_element_type=f32)
        e2 = _pair_logits(xl, xr, a)
        m = jnp.max(jnp.where(has, e2, -1e30), axis=0, keepdims=True)
        ex = jnp.where(has, jnp.exp(e2 - m), 0.0)
        ssum = jnp.sum(c2 * ex, axis=0, keepdims=True)
        alpha = ex / (ssum + 1e-16)
        wmat = c2 * alpha
        out = jax.lax.dot_general(wmat, xl, (((0,), (0,)), ((), ())),
                                  preferred_element_type=f32)
        return out + b, alpha

    h1, alpha1 = gatv2(x_ref[...], wl1_ref[...], wr1_ref[...],
                       a1_ref[...].reshape(1, D), b1_ref[...].reshape(1, D))
    alpha2d_ref[...] = alpha1
    h2, _ = gatv2(h1, wl2_ref[...], wr2_ref[...],
                  a2_ref[...].reshape(1, D), b2_ref[...].reshape(1, D))
    gf = (h2 + mmse_ref[...].reshape(1, 1) * wm_ref[...]
          + bm_ref[...].reshape(1, D))
    dec = jax.lax.dot_general(gf, gf, (((1,), (1,)), ((), ())),
                              preferred_element_type=f32)
    comp_ref[...] = jax.nn.sigmoid(dec)


def _sc_alpha_gather(alpha2d, edge_index):
    mesh = plsc.VectorSubcoreMesh(core_axis_name="c", subcore_axis_name="s")
    offs = [i * 16 for i in range(E // 16)] + [E - 16]

    @functools.partial(
        pl.kernel, mesh=mesh,
        compiler_params=pltpu.CompilerParams(needs_layout_passes=False),
        out_type=jax.ShapeDtypeStruct((E,), jnp.float32),
        scratch_types=[
            pltpu.VMEM((N, N), jnp.float32),
            pltpu.VMEM((N * N,), jnp.float32),
            pltpu.VMEM((2, E), jnp.int32),
            pltpu.VMEM((E,), jnp.float32),
        ],
    )
    def k(alpha_hbm, ei_hbm, out_hbm, al_v, alf_v, ei_v, res_v):
        wid = lax.axis_index("s") * 2 + lax.axis_index("c")

        @pl.when(wid == 0)
        def _work():
            pltpu.sync_copy(alpha_hbm, al_v)
            pltpu.sync_copy(ei_hbm, ei_v)
            for r in range(N):
                alf_v[pl.ds(19 * r, 16)] = al_v[r, pl.ds(0, 16)]
                alf_v[pl.ds(19 * r + 3, 16)] = al_v[r, pl.ds(3, 16)]
            for off in offs:
                srci = ei_v[0, pl.ds(off, 16)]
                dsti = ei_v[1, pl.ds(off, 16)]
                p = srci * N + dsti
                res_v[pl.ds(off, 16)] = plsc.load_gather(alf_v, [p])
            pltpu.sync_copy(res_v, out_hbm)

    return k(alpha2d, edge_index)


def kernel(x, edge_index, mmse, Wl1, Wr1, a1, b1, Wl2, Wr2, a2, b2, Wm, bm,
           W11, b11, W12, b12, W21, b21, W22, b22, Wp, bp):
    f32 = jnp.float32
    T = x.shape[1]
    compressed, alpha2d = pl.pallas_call(
        _tc_fused,
        in_specs=[pl.BlockSpec((19, T), lambda: (0, 0)),
                  pl.BlockSpec((2, E), lambda: (0, 0)),
                  pl.BlockSpec((1,), lambda: (0,)),
                  pl.BlockSpec((T, D), lambda: (0, 0)),
                  pl.BlockSpec((T, D), lambda: (0, 0)),
                  pl.BlockSpec((D,), lambda: (0,)),
                  pl.BlockSpec((D,), lambda: (0,)),
                  pl.BlockSpec((D, D), lambda: (0, 0)),
                  pl.BlockSpec((D, D), lambda: (0, 0)),
                  pl.BlockSpec((D,), lambda: (0,)),
                  pl.BlockSpec((D,), lambda: (0,)),
                  pl.BlockSpec((1, D), lambda: (0, 0)),
                  pl.BlockSpec((D,), lambda: (0,))],
        out_shape=[
            jax.ShapeDtypeStruct((N, N), f32),
            jax.ShapeDtypeStruct((N, N), f32),
        ],
    )(x, edge_index, mmse,
      Wl1, Wr1, a1, b1, Wl2, Wr2, a2, b2, Wm, bm)
    alpha1 = _sc_alpha_gather(alpha2d, edge_index)
    return compressed, alpha1

# --- scband reference (transcript-rebuilt; emitter-appended) ---
"""Pipeline reference for scband-graph-connectivity-decoder-13211319402652 (READ-ONLY COPY).

The authoritative reference and input builder live on the scoring server;
editing this copy changes nothing except your own understanding.
"""

import jax, jax.numpy as jnp
import numpy as np

N, E, T, D, H = 19, 342, 1025, 512, 256

def setup_inputs(seed: int = 0):
    key = jax.random.key(seed)
    ks = jax.random.split(key, 24)
    p = lambda i, shape: jax.random.normal(ks[i], shape, dtype=jnp.float32) * 0.05
    inp = {
        "x": jax.random.normal(ks[0], (N, T), dtype=jnp.float32),
        "edge_index": jax.random.randint(ks[1], (2, E), 0, N, dtype=jnp.int32),
        "mmse": jax.random.uniform(ks[2], (1,), dtype=jnp.float32),
        "Wl1": p(3, (T, D)), "Wr1": p(4, (T, D)), "a1": p(5, (D,)), "b1": p(6, (D,)),
        "Wl2": p(7, (D, D)), "Wr2": p(8, (D, D)), "a2": p(9, (D,)), "b2": p(10, (D,)),
        "Wm": p(11, (1, D)), "bm": p(12, (D,)),
        "W11": p(13, (T, H)), "b11": p(14, (H,)),
        "W12": p(15, (H, H)), "b12": p(16, (H,)),
        "W21": p(17, (H, D)), "b21": p(18, (D,)),
        "W22": p(19, (D, D)), "b22": p(20, (D,)),
        "Wp": p(21, (N * D, 1)), "bp": p(22, (1,)),
    }
    return inp

def _leaky(z):
    return jnp.where(z > 0, z, 0.2 * z)

def _gatv2(x, src, dst, Wl, Wr, a, b):
    xl = x @ Wl
    xr = x @ Wr
    e = _leaky(xl[src] + xr[dst]) @ a
    m = jax.ops.segment_max(e, dst, num_segments=N)
    ex = jnp.exp(e - m[dst])
    s = jax.ops.segment_sum(ex, dst, num_segments=N)
    alpha = ex / (s[dst] + 1e-16)
    out = jax.ops.segment_sum(alpha[:, None] * xl[src], dst, num_segments=N) + b
    return out, alpha

def reference(x, edge_index, mmse, Wl1, Wr1, a1, b1, Wl2, Wr2, a2, b2, Wm, bm, W11, b11, W12, b12, W21, b21, W22, b22, Wp, bp):
    src = edge_index[0]
    dst = edge_index[1]
    # GraphConnectionEncoder: two GATv2 layers (heads=1); attn weights of layer 1 returned
    h1, alpha1 = _gatv2(x, src, dst, Wl1, Wr1, a1, b1)
    # second GAT receives attn_weights as edge_attr in original code; GATv2Conv has no edge_dim so it is ignored
    gf, _ = _gatv2(h1, src, dst, Wl2, Wr2, a2, b2)
    # mmse conditioning (broadcast add)
    gf = gf + (mmse @ Wm + bm)
    # decoder: inner-product connectivity
    decoded = gf @ gf.T
    compressed = jax.nn.sigmoid(decoded)
    # ConnectivityClassifier: 2-layer GIN (eps=0) + linear head; result only printed in original, not returned
    agg = jax.ops.segment_sum(x[src], dst, num_segments=N)
    h = x + agg
    h = jax.nn.relu(h @ W11 + b11)
    h = h @ W12 + b12
    h = jax.nn.relu(h)
    agg2 = jax.ops.segment_sum(h[src], dst, num_segments=N)
    h2 = h + agg2
    h2 = jax.nn.relu(h2 @ W21 + b21)
    h2 = h2 @ W22 + b22
    pred_dem = jax.nn.sigmoid(h2.reshape(-1) @ Wp + bp)
    del pred_dem
    return (compressed, alpha1)

if __name__ == "__main__":
    import jax
    _d = setup_inputs()
    print(jax.jit(kernel)(*tuple(_d.values())))

</pallas_src>

<mosaic_0001>
#map = affine_map<(d0, d1) -> (0, 0)>
#map1 = affine_map<(d0, d1) -> (0)>
module attributes {stable_mosaic.version = 14 : i64} {
  func.func @k(%arg0: i32, %arg1: i32, %arg2: memref<19x19xf32, #tpu.memory_space<hbm>>, %arg3: memref<2x342xi32, #tpu.memory_space<hbm>>, %arg4: memref<342xf32, #tpu.memory_space<hbm>>, %arg5: memref<19x19xf32, #tpu.memory_space<vmem>>, %arg6: memref<361xf32, #tpu.memory_space<vmem>>, %arg7: memref<2x342xi32, #tpu.memory_space<vmem>>, %arg8: memref<342xf32, #tpu.memory_space<vmem>>) attributes {dimension_semantics = [#tpu.dimension_semantics<core_parallel>, #tpu.dimension_semantics<subcore_parallel>], iteration_bounds = array<i64: 2, 16>, scalar_prefetch = 0 : i64, scratch_operands = 4 : i64, tpu.core_type = #tpu.core_type<sc_vector_subcore>, window_params = [{transform_indices = #map}, {transform_indices = #map}, {transform_indices = #map1}]} {
    %mul3A = arith.constant 2 : i32
    %mul3A_0 = arith.muli %arg1, %mul3A : i32
    %add3A = arith.addi %mul3A_0, %arg0 : i32
    %eq3A = arith.constant 0 : i32
    %eq3A_1 = arith.cmpi eq, %add3A, %eq3A : i32
    %convert_element_type3A = arith.extui %eq3A_1 : i1 to i32
    %cond3A = arith.constant 0 : i32
    %cond3A_2 = arith.cmpi ne, %convert_element_type3A, %cond3A : i32
    scf.if %cond3A_2 {
      "tpu.region"() ({
        %run_scoped3A = tpu.sem_alloc : memref<!tpu.dma_semaphore, #tpu.memory_space<semaphore_mem>>
        tpu.enqueue_dma source(%arg2 : memref<19x19xf32, #tpu.memory_space<hbm>>) target(%arg5 : memref<19x19xf32, #tpu.memory_space<vmem>>) target_semaphore(%run_scoped3A : memref<!tpu.dma_semaphore, #tpu.memory_space<semaphore_mem>>)
        tpu.wait_dma2 semaphore(%run_scoped3A : memref<!tpu.dma_semaphore, #tpu.memory_space<semaphore_mem>>) src(%arg2 : memref<19x19xf32, #tpu.memory_space<hbm>>) dst(%arg5 : memref<19x19xf32, #tpu.memory_space<vmem>>)
        tpu.yield
      }) : () -> ()
      "tpu.region"() ({
        %run_scoped3A = tpu.sem_alloc : memref<!tpu.dma_semaphore, #tpu.memory_space<semaphore_mem>>
        tpu.enqueue_dma source(%arg3 : memref<2x342xi32, #tpu.memory_space<hbm>>) target(%arg7 : memref<2x342xi32, #tpu.memory_space<vmem>>) target_semaphore(%run_scoped3A : memref<!tpu.dma_semaphore, #tpu.memory_space<semaphore_mem>>)
        tpu.wait_dma2 semaphore(%run_scoped3A : memref<!tpu.dma_semaphore, #tpu.memory_space<semaphore_mem>>) src(%arg3 : memref<2x342xi32, #tpu.memory_space<hbm>>) dst(%arg7 : memref<2x342xi32, #tpu.memory_space<vmem>>)
        tpu.yield
      }) : () -> ()
      %get3A = arith.constant 0 : i32
      %get3A_3 = arith.index_cast %get3A : i32 to index
      %get3A_4 = arith.constant 0 : index
      %get3A_5 = tpu.vector_load %arg5[%get3A_3, %get3A_4] {strides = array<i32>} : memref<19x19xf32, #tpu.memory_space<vmem>>, vector<16xf32>,
      %swap3A = arith.constant 0 : index
      %swap3A_6 = tpu.vector_load %arg6[%swap3A] {strides = array<i32>} : memref<361xf32, #tpu.memory_space<vmem>>, vector<16xf32>,
      tpu.vector_store %arg6[%swap3A], %get3A_5 {strides = array<i32>} : memref<361xf32, #tpu.memory_space<vmem>>, vector<16xf32>,
      %get3A_7 = arith.constant 0 : i32
      %get3A_8 = arith.index_cast %get3A_7 : i32 to index
      %get3A_9 = arith.constant 3 : index
      %get3A_10 = tpu.vector_load %arg5[%get3A_8, %get3A_9] {strides = array<i32>} : memref<19x19xf32, #tpu.memory_space<vmem>>, vector<16xf32>,
      %swap3A_11 = arith.constant 3 : index
      %swap3A_12 = tpu.vector_load %arg6[%swap3A_11] {strides = array<i32>} : memref<361xf32, #tpu.memory_space<vmem>>, vector<16xf32>,
      tpu.vector_store %arg6[%swap3A_11], %get3A_10 {strides = array<i32>} : memref<361xf32, #tpu.memory_space<vmem>>, vector<16xf32>,
      %get3A_13 = arith.constant 1 : i32
      %get3A_14 = arith.index_cast %get3A_13 : i32 to index
      %get3A_15 = arith.constant 0 : index
      %get3A_16 = tpu.vector_load %arg5[%get3A_14, %get3A_15] {strides = array<i32>} : memref<19x19xf32, #tpu.memory_space<vmem>>, vector<16xf32>,
      %swap3A_17 = arith.constant 19 : index
      %swap3A_18 = tpu.vector_load %arg6[%swap3A_17] {strides = array<i32>} : memref<361xf32, #tpu.memory_space<vmem>>, vector<16xf32>,
      tpu.vector_store %arg6[%swap3A_17], %get3A_16 {strides = array<i32>} : memref<361xf32, #tpu.memory_space<vmem>>, vector<16xf32>,
      %get3A_19 = arith.constant 1 : i32
      %get3A_20 = arith.index_cast %get3A_19 : i32 to index
      %get3A_21 = arith.constant 3 : index
      %get3A_22 = tpu.vector_load %arg5[%get3A_20, %get3A_21] {strides = array<i32>} : memref<19x19xf32, #tpu.memory_space<vmem>>, vector<16xf32>,
      %swap3A_23 = arith.constant 22 : index
      %swap3A_24 = tpu.vector_load %arg6[%swap3A_23] {strides = array<i32>} : memref<361xf32, #tpu.memory_space<vmem>>, vector<16xf32>,
      tpu.vector_store %arg6[%swap3A_23], %get3A_22 {strides = array<i32>} : memref<361xf32, #tpu.memory_space<vmem>>, vector<16xf32>,
      %get3A_25 = arith.constant 2 : i32
      %get3A_26 = arith.index_cast %get3A_25 : i32 to index
      %get3A_27 = arith.constant 0 : index
      %get3A_28 = tpu.vector_load %arg5[%get3A_26, %get3A_27] {strides = array<i32>} : memref<19x19xf32, #tpu.memory_space<vmem>>, vector<16xf32>,
      %swap3A_29 = arith.constant 38 : index
      %swap3A_30 = tpu.vector_load %arg6[%swap3A_29] {strides = array<i32>} : memref<361xf32, #tpu.memory_space<vmem>>, vector<16xf32>,
      tpu.vector_store %arg6[%swap3A_29], %get3A_28 {strides = array<i32>} : memref<361xf32, #tpu.memory_space<vmem>>, vector<16xf32>,
      %get3A_31 = arith.constant 2 : i32
      %get3A_32 = arith.index_cast %get3A_31 : i32 to index
      %get3A_33 = arith.constant 3 : index
      %get3A_34 = tpu.vector_load %arg5[%get3A_32, %get3A_33] {strides = array<i32>} : memref<19x19xf32, #tpu.memory_space<vmem>>, vector<16xf32>,
      %swap3A_35 = arith.constant 41 : index
      %swap3A_36 = tpu.vector_load %arg6[%swap3A_35] {strides = array<i32>} : memref<361xf32, #tpu.memory_space<vmem>>, vector<16xf32>,
      tpu.vector_store %arg6[%swap3A_35], %get3A_34 {strides = array<i32>} : memref<361xf32, #tpu.memory_space<vmem>>, vector<16xf32>,
      %get3A_37 = arith.constant 3 : i32
      %get3A_38 = arith.index_cast %get3A_37 : i32 to index
      %get3A_39 = arith.constant 0 : index
      %get3A_40 = tpu.vector_load %arg5[%get3A_38, %get3A_39] {strides = array<i32>} : memref<19x19xf32, #tpu.memory_space<vmem>>, vector<16xf32>,
      %swap3A_41 = arith.constant 57 : index
      %swap3A_42 = tpu.vector_load %arg6[%swap3A_41] {strides = array<i32>} : memref<361xf32, #tpu.memory_space<vmem>>, vector<16xf32>,
      tpu.vector_store %arg6[%swap3A_41], %get3A_40 {strides = array<i32>} : memref<361xf32, #tpu.memory_space<vmem>>, vector<16xf32>,
      %get3A_43 = arith.constant 3 : i32
      %get3A_44 = arith.index_cast %get3A_43 : i32 to index
      %get3A_45 = arith.constant 3 : index
      %get3A_46 = tpu.vector_load %arg5[%get3A_44, %get3A_45] {strides = array<i32>} : memref<19x19xf32, #tpu.memory_space<vmem>>, vector<16xf32>,
      %swap3A_47 = arith.constant 60 : index
      %swap3A_48 = tpu.vector_load %arg6[%swap3A_47] {strides = array<i32>} : memref<361xf32, #tpu.memory_space<vmem>>, vector<16xf32>,
      tpu.vector_store %arg6[%swap3A_47], %get3A_46 {strides = array<i32>} : memref<361xf32, #tpu.memory_space<vmem>>, vector<16xf32>,
      %get3A_49 = arith.constant 4 : i32
      %get3A_50 = arith.index_cast %get3A_49 : i32 to index
      %get3A_51 = arith.constant 0 : index
      %get3A_52 = tpu.vector_load %arg5[%get3A_50, %get3A_51] {strides = array<i32>} : memref<19x19xf32, #tpu.memory_space<vmem>>, vector<16xf32>,
      %swap3A_53 = arith.constant 76 : index
      %swap3A_54 = tpu.vector_load %arg6[%swap3A_53] {strides = array<i32>} : memref<361xf32, #tpu.memory_space<vmem>>, vector<16xf32>,
      tpu.vector_store %arg6[%swap3A_53], %get3A_52 {strides = array<i32>} : memref<361xf32, #tpu.memory_space<vmem>>, vector<16xf32>,
      %get3A_55 = arith.constant 4 : i32
      %get3A_56 = arith.index_cast %get3A_55 : i32 to index
      %get3A_57 = arith.constant 3 : index
      %get3A_58 = tpu.vector_load %arg5[%get3A_56, %get3A_57] {strides = array<i32>} : memref<19x19xf32, #tpu.memory_space<vmem>>, vector<16xf32>,
      %swap3A_59 = arith.constant 79 : index
      %swap3A_60 = tpu.vector_load %arg6[%swap3A_59] {strides = array<i32>} : memref<361xf32, #tpu.memory_space<vmem>>, vector<16xf32>,
      tpu.vector_store %arg6[%swap3A_59], %get3A_58 {strides = array<i32>} : memref<361xf32, #tpu.memory_space<vmem>>, vector<16xf32>,
      %get3A_61 = arith.constant 5 : i32
      %get3A_62 = arith.index_cast %get3A_61 : i32 to index
      %get3A_63 = arith.constant 0 : index
      %get3A_64 = tpu.vector_load %arg5[%get3A_62, %get3A_63] {strides = array<i32>} : memref<19x19xf32, #tpu.memory_space<vmem>>, vector<16xf32>,
      %swap3A_65 = arith.constant 95 : index
      %swap3A_66 = tpu.vector_load %arg6[%swap3A_65] {strides = array<i32>} : memref<361xf32, #tpu.memory_space<vmem>>, vector<16xf32>,
      tpu.vector_store %arg6[%swap3A_65], %get3A_64 {strides = array<i32>} : memref<361xf32, #tpu.memory_space<vmem>>, vector<16xf32>,
      %get3A_67 = arith.constant 5 : i32
      %get3A_68 = arith.index_cast %get3A_67 : i32 to index
      %get3A_69 = arith.constant 3 : index
      %get3A_70 = tpu.vector_load %arg5[%get3A_68, %get3A_69] {strides = array<i32>} : memref<19x19xf32, #tpu.memory_space<vmem>>, vector<16xf32>,
      %swap3A_71 = arith.constant 98 : index
      %swap3A_72 = tpu.vector_load %arg6[%swap3A_71] {strides = array<i32>} : memref<361xf32, #tpu.memory_space<vmem>>, vector<16xf32>,
      tpu.vector_store %arg6[%swap3A_71], %get3A_70 {strides = array<i32>} : memref<361xf32, #tpu.memory_space<vmem>>, vector<16xf32>,
      %get3A_73 = arith.constant 6 : i32
      %get3A_74 = arith.index_cast %get3A_73 : i32 to index
      %get3A_75 = arith.constant 0 : index
      %get3A_76 = tpu.vector_load %arg5[%get3A_74, %get3A_75] {strides = array<i32>} : memref<19x19xf32, #tpu.memory_space<vmem>>, vector<16xf32>,
      %swap3A_77 = arith.constant 114 : index
      %swap3A_78 = tpu.vector_load %arg6[%swap3A_77] {strides = array<i32>} : memref<361xf32, #tpu.memory_space<vmem>>, vector<16xf32>,
      tpu.vector_store %arg6[%swap3A_77], %get3A_76 {strides = array<i32>} : memref<361xf32, #tpu.memory_space<vmem>>, vector<16xf32>,
      %get3A_79 = arith.constant 6 : i32
      %get3A_80 = arith.index_cast %get3A_79 : i32 to index
      %get3A_81 = arith.constant 3 : index
      %get3A_82 = tpu.vector_load %arg5[%get3A_80, %get3A_81] {strides = array<i32>} : memref<19x19xf32, #tpu.memory_space<vmem>>, vector<16xf32>,
      %swap3A_83 = arith.constant 117 : index
      %swap3A_84 = tpu.vector_load %arg6[%swap3A_83] {strides = array<i32>} : memref<361xf32, #tpu.memory_space<vmem>>, vector<16xf32>,
      tpu.vector_store %arg6[%swap3A_83], %get3A_82 {strides = array<i32>} : memref<361xf32, #tpu.memory_space<vmem>>, vector<16xf32>,
      %get3A_85 = arith.constant 7 : i32
      %get3A_86 = arith.index_cast %get3A_85 : i32 to index
      %get3A_87 = arith.constant 0 : index
      %get3A_88 = tpu.vector_load %arg5[%get3A_86, %get3A_87] {strides = array<i32>} : memref<19x19xf32, #tpu.memory_space<vmem>>, vector<16xf32>,
      %swap3A_89 = arith.constant 133 : index
      %swap3A_90 = tpu.vector_load %arg6[%swap3A_89] {strides = array<i32>} : memref<361xf32, #tpu.memory_space<vmem>>, vector<16xf32>,
      tpu.vector_store %arg6[%swap3A_89], %get3A_88 {strides = array<i32>} : memref<361xf32, #tpu.memory_space<vmem>>, vector<16xf32>,
      %get3A_91 = arith.constant 7 : i32
      %get3A_92 = arith.index_cast %get3A_91 : i32 to index
      %get3A_93 = arith.constant 3 : index
      %get3A_94 = tpu.vector_load %arg5[%get3A_92, %get3A_93] {strides = array<i32>} : memref<19x19xf32, #tpu.memory_space<vmem>>, vector<16xf32>,
      %swap3A_95 = arith.constant 136 : index
      %swap3A_96 = tpu.vector_load %arg6[%swap3A_95] {strides = array<i32>} : memref<361xf32, #tpu.memory_space<vmem>>, vector<16xf32>,
      tpu.vector_store %arg6[%swap3A_95], %get3A_94 {strides = array<i32>} : memref<361xf32, #tpu.memory_space<vmem>>, vector<16xf32>,
      %get3A_97 = arith.constant 8 : i32
      %get3A_98 = arith.index_cast %get3A_97 : i32 to index
      %get3A_99 = arith.constant 0 : index
      %get3A_100 = tpu.vector_load %arg5[%get3A_98, %get3A_99] {strides = array<i32>} : memref<19x19xf32, #tpu.memory_space<vmem>>, vector<16xf32>,
      %swap3A_101 = arith.constant 152 : index
      %swap3A_102 = tpu.vector_load %arg6[%swap3A_101] {strides = array<i32>} : memref<361xf32, #tpu.memory_space<vmem>>, vector<16xf32>,
      tpu.vector_store %arg6[%swap3A_101], %get3A_100 {strides = array<i32>} : memref<361xf32, #tpu.memory_space<vmem>>, vector<16xf32>,
      %get3A_103 = arith.constant 8 : i32
      %get3A_104 = arith.index_cast %get3A_103 : i32 to index
      %get3A_105 = arith.constant 3 : index
      %get3A_106 = tpu.vector_load %arg5[%get3A_104, %get3A_105] {strides = array<i32>} : memref<19x19xf32, #tpu.memory_space<vmem>>, vector<16xf32>,
      %swap3A_107 = arith.constant 155 : index
      %swap3A_108 = tpu.vector_load %arg6[%swap3A_107] {strides = array<i32>} : memref<361xf32, #tpu.memory_space<vmem>>, vector<16xf32>,
      tpu.vector_store %arg6[%swap3A_107], %get3A_106 {strides = array<i32>} : memref<361xf32, #tpu.memory_space<vmem>>, vector<16xf32>,
      %get3A_109 = arith.constant 9 : i32
      %get3A_110 = arith.index_cast %get3A_109 : i32 to index
      %get3A_111 = arith.constant 0 : index
      %get3A_112 = tpu.vector_load %arg5[%get3A_110, %get3A_111] {strides = array<i32>} : memref<19x19xf32, #tpu.memory_space<vmem>>, vector<16xf32>,
      %swap3A_113 = arith.constant 171 : index
      %swap3A_114 = tpu.vector_load %arg6[%swap3A_113] {strides = array<i32>} : memref<361xf32, #tpu.memory_space<vmem>>, vector<16xf32>,
      tpu.vector_store %arg6[%swap3A_113], %get3A_112 {strides = array<i32>} : memref<361xf32, #tpu.memory_space<vmem>>, vector<16xf32>,
      %get3A_115 = arith.constant 9 : i32
      %get3A_116 = arith.index_cast %get3A_115 : i32 to index
      %get3A_117 = arith.constant 3 : index
      %get3A_118 = tpu.vector_load %arg5[%get3A_116, %get3A_117] {strides = array<i32>} : memref<19x19xf32, #tpu.memory_space<vmem>>, vector<16xf32>,
      %swap3A_119 = arith.constant 174 : index
      %swap3A_120 = tpu.vector_load %arg6[%swap3A_119] {strides = array<i32>} : memref<361xf32, #tpu.memory_space<vmem>>, vector<16xf32>,
      tpu.vector_store %arg6[%swap3A_119], %get3A_118 {strides = array<i32>} : memref<361xf32, #tpu.memory_space<vmem>>, vector<16xf32>,
      %get3A_121 = arith.constant 10 : i32
      %get3A_122 = arith.index_cast %get3A_121 : i32 to index
      %get3A_123 = arith.constant 0 : index
      %get3A_124 = tpu.vector_load %arg5[%get3A_122, %get3A_123] {strides = array<i32>} : memref<19x19xf32, #tpu.memory_space<vmem>>, vector<16xf32>,
      %swap3A_125 = arith.constant 190 : index
      %swap3A_126 = tpu.vector_load %arg6[%swap3A_125] {strides = array<i32>} : memref<361xf32, #tpu.memory_space<vmem>>, vector<16xf32>,
      tpu.vector_store %arg6[%swap3A_125], %get3A_124 {strides = array<i32>} : memref<361xf32, #tpu.memory_space<vmem>>, vector<16xf32>,
      %get3A_127 = arith.constant 10 : i32
      %get3A_128 = arith.index_cast %get3A_127 : i32 to index
      %get3A_129 = arith.constant 3 : index
      %get3A_130 = tpu.vector_load %arg5[%get3A_128, %get3A_129] {strides = array<i32>} : memref<19x19xf32, #tpu.memory_space<vmem>>, vector<16xf32>,
      %swap3A_131 = arith.constant 193 : index
      %swap3A_132 = tpu.vector_load %arg6[%swap3A_131] {strides = array<i32>} : memref<361xf32, #tpu.memory_space<vmem>>, vector<16xf32>,
      tpu.vector_store %arg6[%swap3A_131], %get3A_130 {strides = array<i32>} : memref<361xf32, #tpu.memory_space<vmem>>, vector<16xf32>,
      %get3A_133 = arith.constant 11 : i32
      %get3A_134 = arith.index_cast %get3A_133 : i32 to index
      %get3A_135 = arith.constant 0 : index
      %get3A_136 = tpu.vector_load %arg5[%get3A_134, %get3A_135] {strides = array<i32>} : memref<19x19xf32, #tpu.memory_space<vmem>>, vector<16xf32>,
      %swap3A_137 = arith.constant 209 : index
      %swap3A_138 = tpu.vector_load %arg6[%swap3A_137] {strides = array<i32>} : memref<361xf32, #tpu.memory_space<vmem>>, vector<16xf32>,
      tpu.vector_store %arg6[%swap3A_137], %get3A_136 {strides = array<i32>} : memref<361xf32, #tpu.memory_space<vmem>>, vector<16xf32>,
      %get3A_139 = arith.constant 11 : i32
      %get3A_140 = arith.index_cast %get3A_139 : i32 to index
      %get3A_141 = arith.constant 3 : index
      %get3A_142 = tpu.vector_load %arg5[%get3A_140, %get3A_141] {strides = array<i32>} : memref<19x19xf32, #tpu.memory_space<vmem>>, vector<16xf32>,
      %swap3A_143 = arith.constant 212 : index
      %swap3A_144 = tpu.vector_load %arg6[%swap3A_143] {strides = array<i32>} : memref<361xf32, #tpu.memory_space<vmem>>, vector<16xf32>,
      tpu.vector_store %arg6[%swap3A_143], %get3A_142 {strides = array<i32>} : memref<361xf32, #tpu.memory_space<vmem>>, vector<16xf32>,
      %get3A_145 = arith.constant 12 : i32
      %get3A_146 = arith.index_cast %get3A_145 : i32 to index
      %get3A_147 = arith.constant 0 : index
      %get3A_148 = tpu.vector_load %arg5[%get3A_146, %get3A_147] {strides = array<i32>} : memref<19x19xf32, #tpu.memory_space<vmem>>, vector<16xf32>,
      %swap3A_149 = arith.constant 228 : index
      %swap3A_150 = tpu.vector_load %arg6[%swap3A_149] {strides = array<i32>} : memref<361xf32, #tpu.memory_space<vmem>>, vector<16xf32>,
      tpu.vector_store %arg6[%swap3A_149], %get3A_148 {strides = array<i32>} : memref<361xf32, #tpu.memory_space<vmem>>, vector<16xf32>,
      %get3A_151 = arith.constant 12 : i32
      %get3A_152 = arith.index_cast %get3A_151 : i32 to index
      %get3A_153 = arith.constant 3 : index
      %get3A_154 = tpu.vector_load %arg5[%get3A_152, %get3A_153] {strides = array<i32>} : memref<19x19xf32, #tpu.memory_space<vmem>>, vector<16xf32>,
      %swap3A_155 = arith.constant 231 : index
      %swap3A_156 = tpu.vector_load %arg6[%swap3A_155] {strides = array<i32>} : memref<361xf32, #tpu.memory_space<vmem>>, vector<16xf32>,
      tpu.vector_store %arg6[%swap3A_155], %get3A_154 {strides = array<i32>} : memref<361xf32, #tpu.memory_space<vmem>>, vector<16xf32>,
      %get3A_157 = arith.constant 13 : i32
      %get3A_158 = arith.index_cast %get3A_157 : i32 to index
      %get3A_159 = arith.constant 0 : index
      %get3A_160 = tpu.vector_load %arg5[%get3A_158, %get3A_159] {strides = array<i32>} : memref<19x19xf32, #tpu.memory_space<vmem>>, vector<16xf32>,
      %swap3A_161 = arith.constant 247 : index
      %swap3A_162 = tpu.vector_load %arg6[%swap3A_161] {strides = array<i32>} : memref<361xf32, #tpu.memory_space<vmem>>, vector<16xf32>,
      tpu.vector_store %arg6[%swap3A_161], %get3A_160 {strides = array<i32>} : memref<361xf32, #tpu.memory_space<vmem>>, vector<16xf32>,
      %get3A_163 = arith.constant 13 : i32
      %get3A_164 = arith.index_cast %get3A_163 : i32 to index
      %get3A_165 = arith.constant 3 : index
      %get3A_166 = tpu.vector_load %arg5[%get3A_164, %get3A_165] {strides = array<i32>} : memref<19x19xf32, #tpu.memory_space<vmem>>, vector<16xf32>,
      %swap3A_167 = arith.constant 250 : index
      %swap3A_168 = tpu.vector_load %arg6[%swap3A_167] {strides = array<i32>} : memref<361xf32, #tpu.memory_space<vmem>>, vector<16xf32>,
      tpu.vector_store %arg6[%swap3A_167], %get3A_166 {strides = array<i32>} : memref<361xf32, #tpu.memory_space<vmem>>, vector<16xf32>,
      %get3A_169 = arith.constant 14 : i32
      %get3A_170 = arith.index_cast %get3A_169 : i32 to index
      %get3A_171 = arith.constant 0 : index
      %get3A_172 = tpu.vector_load %arg5[%get3A_170, %get3A_171] {strides = array<i32>} : memref<19x19xf32, #tpu.memory_space<vmem>>, vector<16xf32>,
      %swap3A_173 = arith.constant 266 : index
      %swap3A_174 = tpu.vector_load %arg6[%swap3A_173] {strides = array<i32>} : memref<361xf32, #tpu.memory_space<vmem>>, vector<16xf32>,
      tpu.vector_store %arg6[%swap3A_173], %get3A_172 {strides = array<i32>} : memref<361xf32, #tpu.memory_space<vmem>>, vector<16xf32>,
      %get3A_175 = arith.constant 14 : i32
      %get3A_176 = arith.index_cast %get3A_175 : i32 to index
      %get3A_177 = arith.constant 3 : index
      %get3A_178 = tpu.vector_load %arg5[%get3A_176, %get3A_177] {strides = array<i32>} : memref<19x19xf32, #tpu.memory_space<vmem>>, vector<16xf32>,
      %swap3A_179 = arith.constant 269 : index
      %swap3A_180 = tpu.vector_load %arg6[%swap3A_179] {strides = array<i32>} : memref<361xf32, #tpu.memory_space<vmem>>, vector<16xf32>,
      tpu.vector_store %arg6[%swap3A_179], %get3A_178 {strides = array<i32>} : memref<361xf32, #tpu.memory_space<vmem>>, vector<16xf32>,
      %get3A_181 = arith.constant 15 : i32
      %get3A_182 = arith.index_cast %get3A_181 : i32 to index
      %get3A_183 = arith.constant 0 : index
      %get3A_184 = tpu.vector_load %arg5[%get3A_182, %get3A_183] {strides = array<i32>} : memref<19x19xf32, #tpu.memory_space<vmem>>, vector<16xf32>,
      %swap3A_185 = arith.constant 285 : index
      %swap3A_186 = tpu.vector_load %arg6[%swap3A_185] {strides = array<i32>} : memref<361xf32, #tpu.memory_space<vmem>>, vector<16xf32>,
      tpu.vector_store %arg6[%swap3A_185], %get3A_184 {strides = array<i32>} : memref<361xf32, #tpu.memory_space<vmem>>, vector<16xf32>,
      %get3A_187 = arith.constant 15 : i32
      %get3A_188 = arith.index_cast %get3A_187 : i32 to index
      %get3A_189 = arith.constant 3 : index
      %get3A_190 = tpu.vector_load %arg5[%get3A_188, %get3A_189] {strides = array<i32>} : memref<19x19xf32, #tpu.memory_space<vmem>>, vector<16xf32>,
      %swap3A_191 = arith.constant 288 : index
      %swap3A_192 = tpu.vector_load %arg6[%swap3A_191] {strides = array<i32>} : memref<361xf32, #tpu.memory_space<vmem>>, vector<16xf32>,
      tpu.vector_store %arg6[%swap3A_191], %get3A_190 {strides = array<i32>} : memref<361xf32, #tpu.memory_space<vmem>>, vector<16xf32>,
      %get3A_193 = arith.constant 16 : i32
      %get3A_194 = arith.index_cast %get3A_193 : i32 to index
      %get3A_195 = arith.constant 0 : index
      %get3A_196 = tpu.vector_load %arg5[%get3A_194, %get3A_195] {strides = array<i32>} : memref<19x19xf32, #tpu.memory_space<vmem>>, vector<16xf32>,
      %swap3A_197 = arith.constant 304 : index
      %swap3A_198 = tpu.vector_load %arg6[%swap3A_197] {strides = array<i32>} : memref<361xf32, #tpu.memory_space<vmem>>, vector<16xf32>,
      tpu.vector_store %arg6[%swap3A_197], %get3A_196 {strides = array<i32>} : memref<361xf32, #tpu.memory_space<vmem>>, vector<16xf32>,
      %get3A_199 = arith.constant 16 : i32
      %get3A_200 = arith.index_cast %get3A_199 : i32 to index
      %get3A_201 = arith.constant 3 : index
      %get3A_202 = tpu.vector_load %arg5[%get3A_200, %get3A_201] {strides = array<i32>} : memref<19x19xf32, #tpu.memory_space<vmem>>, vector<16xf32>,
      %swap3A_203 = arith.constant 307 : index
      %swap3A_204 = tpu.vector_load %arg6[%swap3A_203] {strides = array<i32>} : memref<361xf32, #tpu.memory_space<vmem>>, vector<16xf32>,
      tpu.vector_store %arg6[%swap3A_203], %get3A_202 {strides = array<i32>} : memref<361xf32, #tpu.memory_space<vmem>>, vector<16xf32>,
      %get3A_205 = arith.constant 17 : i32
      %get3A_206 = arith.index_cast %get3A_205 : i32 to index
      %get3A_207 = arith.constant 0 : index
      %get3A_208 = tpu.vector_load %arg5[%get3A_206, %get3A_207] {strides = array<i32>} : memref<19x19xf32, #tpu.memory_space<vmem>>, vector<16xf32>,
      %swap3A_209 = arith.constant 323 : index
      %swap3A_210 = tpu.vector_load %arg6[%swap3A_209] {strides = array<i32>} : memref<361xf32, #tpu.memory_space<vmem>>, vector<16xf32>,
      tpu.vector_store %arg6[%swap3A_209], %get3A_208 {strides = array<i32>} : memref<361xf32, #tpu.memory_space<vmem>>, vector<16xf32>,
      %get3A_211 = arith.constant 17 : i32
      %get3A_212 = arith.index_cast %get3A_211 : i32 to index
      %get3A_213 = arith.constant 3 : index
      %get3A_214 = tpu.vector_load %arg5[%get3A_212, %get3A_213] {strides = array<i32>} : memref<19x19xf32, #tpu.memory_space<vmem>>, vector<16xf32>,
      %swap3A_215 = arith.constant 326 : index
      %swap3A_216 = tpu.vector_load %arg6[%swap3A_215] {strides = array<i32>} : memref<361xf32, #tpu.memory_space<vmem>>, vector<16xf32>,
      tpu.vector_store %arg6[%swap3A_215], %get3A_214 {strides = array<i32>} : memref<361xf32, #tpu.memory_space<vmem>>, vector<16xf32>,
      %get3A_217 = arith.constant 18 : i32
      %get3A_218 = arith.index_cast %get3A_217 : i32 to index
      %get3A_219 = arith.constant 0 : index
      %get3A_220 = tpu.vector_load %arg5[%get3A_218, %get3A_219] {strides = array<i32>} : memref<19x19xf32, #tpu.memory_space<vmem>>, vector<16xf32>,
      %swap3A_221 = arith.constant 342 : index
      %swap3A_222 = tpu.vector_load %arg6[%swap3A_221] {strides = array<i32>} : memref<361xf32, #tpu.memory_space<vmem>>, vector<16xf32>,
      tpu.vector_store %arg6[%swap3A_221], %get3A_220 {strides = array<i32>} : memref<361xf32, #tpu.memory_space<vmem>>, vector<16xf32>,
      %get3A_223 = arith.constant 18 : i32
      %get3A_224 = arith.index_cast %get3A_223 : i32 to index
      %get3A_225 = arith.constant 3 : index
      %get3A_226 = tpu.vector_load %arg5[%get3A_224, %get3A_225] {strides = array<i32>} : memref<19x19xf32, #tpu.memory_space<vmem>>, vector<16xf32>,
      %swap3A_227 = arith.constant 345 : index
      %swap3A_228 = tpu.vector_load %arg6[%swap3A_227] {strides = array<i32>} : memref<361xf32, #tpu.memory_space<vmem>>, vector<16xf32>,
      tpu.vector_store %arg6[%swap3A_227], %get3A_226 {strides = array<i32>} : memref<361xf32, #tpu.memory_space<vmem>>, vector<16xf32>,
      %get3A_229 = arith.constant 0 : i32
      %get3A_230 = arith.index_cast %get3A_229 : i32 to index
      %get3A_231 = arith.constant 0 : index
      %get3A_232 = tpu.vector_load %arg7[%get3A_230, %get3A_231] {strides = array<i32>} : memref<2x342xi32, #tpu.memory_space<vmem>>, vector<16xi32>,
      %get3A_233 = arith.constant 1 : i32
      %get3A_234 = arith.index_cast %get3A_233 : i32 to index
      %get3A_235 = arith.constant 0 : index
      %get3A_236 = tpu.vector_load %arg7[%get3A_234, %get3A_235] {strides = array<i32>} : memref<2x342xi32, #tpu.memory_space<vmem>>, vector<16xi32>,
      %mul3A_237 = arith.constant 19 : i32
      %mul3A_238 = vector.broadcast %mul3A_237 : i32 to vector<16xi32>
      %mul3A_239 = arith.muli %get3A_232, %mul3A_238 : vector<16xi32>
      %add3A_240 = arith.addi %mul3A_239, %get3A_236 : vector<16xi32>
      %gather3A = tpu.vector_load_idx %arg6[%add3A_240] : memref<361xf32, #tpu.memory_space<vmem>>[vector<16xi32>], vector<16xf32>,
      %swap3A_241 = arith.constant 0 : index
      %swap3A_242 = tpu.vector_load %arg8[%swap3A_241] {strides = array<i32>} : memref<342xf32, #tpu.memory_space<vmem>>, vector<16xf32>,
      tpu.vector_store %arg8[%swap3A_241], %gather3A {strides = array<i32>} : memref<342xf32, #tpu.memory_space<vmem>>, vector<16xf32>,
      %get3A_243 = arith.constant 0 : i32
      %get3A_244 = arith.index_cast %get3A_243 : i32 to index
      %get3A_245 = arith.constant 16 : index
      %get3A_246 = tpu.vector_load %arg7[%get3A_244, %get3A_245] {strides = array<i32>} : memref<2x342xi32, #tpu.memory_space<vmem>>, vector<16xi32>,
      %get3A_247 = arith.constant 1 : i32
      %get3A_248 = arith.index_cast %get3A_247 : i32 to index
      %get3A_249 = arith.constant 16 : index
      %get3A_250 = tpu.vector_load %arg7[%get3A_248, %get3A_249] {strides = array<i32>} : memref<2x342xi32, #tpu.memory_space<vmem>>, vector<16xi32>,
      %mul3A_251 = arith.constant 19 : i32
      %mul3A_252 = vector.broadcast %mul3A_251 : i32 to vector<16xi32>
      %mul3A_253 = arith.muli %get3A_246, %mul3A_252 : vector<16xi32>
      %add3A_254 = arith.addi %mul3A_253, %get3A_250 : vector<16xi32>
      %gather3A_255 = tpu.vector_load_idx %arg6[%add3A_254] : memref<361xf32, #tpu.memory_space<vmem>>[vector<16xi32>], vector<16xf32>,
      %swap3A_256 = arith.constant 16 : index
      %swap3A_257 = tpu.vector_load %arg8[%swap3A_256] {strides = array<i32>} : memref<342xf32, #tpu.memory_space<vmem>>, vector<16xf32>,
      tpu.vector_store %arg8[%swap3A_256], %gather3A_255 {strides = array<i32>} : memref<342xf32, #tpu.memory_space<vmem>>, vector<16xf32>,
      %get3A_258 = arith.constant 0 : i32
      %get3A_259 = arith.index_cast %get3A_258 : i32 to index
      %get3A_260 = arith.constant 32 : index
      %get3A_261 = tpu.vector_load %arg7[%get3A_259, %get3A_260] {strides = array<i32>} : memref<2x342xi32, #tpu.memory_space<vmem>>, vector<16xi32>,
      %get3A_262 = arith.constant 1 : i32
      %get3A_263 = arith.index_cast %get3A_262 : i32 to index
      %get3A_264 = arith.constant 32 : index
      %get3A_265 = tpu.vector_load %arg7[%get3A_263, %get3A_264] {strides = array<i32>} : memref<2x342xi32, #tpu.memory_space<vmem>>, vector<16xi32>,
      %mul3A_266 = arith.constant 19 : i32
      %mul3A_267 = vector.broadcast %mul3A_266 : i32 to vector<16xi32>
      %mul3A_268 = arith.muli %get3A_261, %mul3A_267 : vector<16xi32>
      %add3A_269 = arith.addi %mul3A_268, %get3A_265 : vector<16xi32>
      %gather3A_270 = tpu.vector_load_idx %arg6[%add3A_269] : memref<361xf32, #tpu.memory_space<vmem>>[vector<16xi32>], vector<16xf32>,
      %swap3A_271 = arith.constant 32 : index
      %swap3A_272 = tpu.vector_load %arg8[%swap3A_271] {strides = array<i32>} : memref<342xf32, #tpu.memory_space<vmem>>, vector<16xf32>,
      tpu.vector_store %arg8[%swap3A_271], %gather3A_270 {strides = array<i32>} : memref<342xf32, #tpu.memory_space<vmem>>, vector<16xf32>,
      %get3A_273 = arith.constant 0 : i32
      %get3A_274 = arith.index_cast %get3A_273 : i32 to index
      %get3A_275 = arith.constant 48 : index
      %get3A_276 = tpu.vector_load %arg7[%get3A_274, %get3A_275] {strides = array<i32>} : memref<2x342xi32, #tpu.memory_space<vmem>>, vector<16xi32>,
      %get3A_277 = arith.constant 1 : i32
      %get3A_278 = arith.index_cast %get3A_277 : i32 to index
      %get3A_279 = arith.constant 48 : index
      %get3A_280 = tpu.vector_load %arg7[%get3A_278, %get3A_279] {strides = array<i32>} : memref<2x342xi32, #tpu.memory_space<vmem>>, vector<16xi32>,
      %mul3A_281 = arith.constant 19 : i32
      %mul3A_282 = vector.broadcast %mul3A_281 : i32 to vector<16xi32>
      %mul3A_283 = arith.muli %get3A_276, %mul3A_282 : vector<16xi32>
      %add3A_284 = arith.addi %mul3A_283, %get3A_280 : vector<16xi32>
      %gather3A_285 = tpu.vector_load_idx %arg6[%add3A_284] : memref<361xf32, #tpu.memory_space<vmem>>[vector<16xi32>], vector<16xf32>,
      %swap3A_286 = arith.constant 48 : index
      %swap3A_287 = tpu.vector_load %arg8[%swap3A_286] {strides = array<i32>} : memref<342xf32, #tpu.memory_space<vmem>>, vector<16xf32>,
      tpu.vector_store %arg8[%swap3A_286], %gather3A_285 {strides = array<i32>} : memref<342xf32, #tpu.memory_space<vmem>>, vector<16xf32>,
      %get3A_288 = arith.constant 0 : i32
      %get3A_289 = arith.index_cast %get3A_288 : i32 to index
      %get3A_290 = arith.constant 64 : index
      %get3A_291 = tpu.vector_load %arg7[%get3A_289, %get3A_290] {strides = array<i32>} : memref<2x342xi32, #tpu.memory_space<vmem>>, vector<16xi32>,
      %get3A_292 = arith.constant 1 : i32
      %get3A_293 = arith.index_cast %get3A_292 : i32 to index
      %get3A_294 = arith.constant 64 : index
      %get3A_295 = tpu.vector_load %arg7[%get3A_293, %get3A_294] {strides = array<i32>} : memref<2x342xi32, #tpu.memory_space<vmem>>, vector<16xi32>,
      %mul3A_296 = arith.constant 19 : i32
      %mul3A_297 = vector.broadcast %mul3A_296 : i32 to vector<16xi32>
      %mul3A_298 = arith.muli %get3A_291, %mul3A_297 : vector<16xi32>
      %add3A_299 = arith.addi %mul3A_298, %get3A_295 : vector<16xi32>
      %gather3A_300 = tpu.vector_load_idx %arg6[%add3A_299] : memref<361xf32, #tpu.memory_space<vmem>>[vector<16xi32>], vector<16xf32>,
      %swap3A_301 = arith.constant 64 : index
      %swap3A_302 = tpu.vector_load %arg8[%swap3A_301] {strides = array<i32>} : memref<342xf32, #tpu.memory_space<vmem>>, vector<16xf32>,
      tpu.vector_store %arg8[%swap3A_301], %gather3A_300 {strides = array<i32>} : memref<342xf32, #tpu.memory_space<vmem>>, vector<16xf32>,
      %get3A_303 = arith.constant 0 : i32
      %get3A_304 = arith.index_cast %get3A_303 : i32 to index
      %get3A_305 = arith.constant 80 : index
      %get3A_306 = tpu.vector_load %arg7[%get3A_304, %get3A_305] {strides = array<i32>} : memref<2x342xi32, #tpu.memory_space<vmem>>, vector<16xi32>,
      %get3A_307 = arith.constant 1 : i32
      %get3A_308 = arith.index_cast %get3A_307 : i32 to index
      %get3A_309 = arith.constant 80 : index
      %get3A_310 = tpu.vector_load %arg7[%get3A_308, %get3A_309] {strides = array<i32>} : memref<2x342xi32, #tpu.memory_space<vmem>>, vector<16xi32>,
      %mul3A_311 = arith.constant 19 : i32
      %mul3A_312 = vector.broadcast %mul3A_311 : i32 to vector<16xi32>
      %mul3A_313 = arith.muli %get3A_306, %mul3A_312 : vector<16xi32>
      %add3A_314 = arith.addi %mul3A_313, %get3A_310 : vector<16xi32>
      %gather3A_315 = tpu.vector_load_idx %arg6[%add3A_314] : memref<361xf32, #tpu.memory_space<vmem>>[vector<16xi32>], vector<16xf32>,
      %swap3A_316 = arith.constant 80 : index
      %swap3A_317 = tpu.vector_load %arg8[%swap3A_316] {strides = array<i32>} : memref<342xf32, #tpu.memory_space<vmem>>, vector<16xf32>,
      tpu.vector_store %arg8[%swap3A_316], %gather3A_315 {strides = array<i32>} : memref<342xf32, #tpu.memory_space<vmem>>, vector<16xf32>,
      %get3A_318 = arith.constant 0 : i32
      %get3A_319 = arith.index_cast %get3A_318 : i32 to index
      %get3A_320 = arith.constant 96 : index
      %get3A_321 = tpu.vector_load %arg7[%get3A_319, %get3A_320] {strides = array<i32>} : memref<2x342xi32, #tpu.memory_space<vmem>>, vector<16xi32>,
      %get3A_322 = arith.constant 1 : i32
      %get3A_323 = arith.index_cast %get3A_322 : i32 to index
      %get3A_324 = arith.constant 96 : index
      %get3A_325 = tpu.vector_load %arg7[%get3A_323, %get3A_324] {strides = array<i32>} : memref<2x342xi32, #tpu.memory_space<vmem>>, vector<16xi32>,
      %mul3A_326 = arith.constant 19 : i32
      %mul3A_327 = vector.broadcast %mul3A_326 : i32 to vector<16xi32>
      %mul3A_328 = arith.muli %get3A_321, %mul3A_327 : vector<16xi32>
      %add3A_329 = arith.addi %mul3A_328, %get3A_325 : vector<16xi32>
      %gather3A_330 = tpu.vector_load_idx %arg6[%add3A_329] : memref<361xf32, #tpu.memory_space<vmem>>[vector<16xi32>], vector<16xf32>,
      %swap3A_331 = arith.constant 96 : index
      %swap3A_332 = tpu.vector_load %arg8[%swap3A_331] {strides = array<i32>} : memref<342xf32, #tpu.memory_space<vmem>>, vector<16xf32>,
      tpu.vector_store %arg8[%swap3A_331], %gather3A_330 {strides = array<i32>} : memref<342xf32, #tpu.memory_space<vmem>>, vector<16xf32>,
      %get3A_333 = arith.constant 0 : i32
      %get3A_334 = arith.index_cast %get3A_333 : i32 to index
      %get3A_335 = arith.constant 112 : index
      %get3A_336 = tpu.vector_load %arg7[%get3A_334, %get3A_335] {strides = array<i32>} : memref<2x342xi32, #tpu.memory_space<vmem>>, vector<16xi32>,
      %get3A_337 = arith.constant 1 : i32
      %get3A_338 = arith.index_cast %get3A_337 : i32 to index
      %get3A_339 = arith.constant 112 : index
      %get3A_340 = tpu.vector_load %arg7[%get3A_338, %get3A_339] {strides = array<i32>} : memref<2x342xi32, #tpu.memory_space<vmem>>, vector<16xi32>,
      %mul3A_341 = arith.constant 19 : i32
      %mul3A_342 = vector.broadcast %mul3A_341 : i32 to vector<16xi32>
      %mul3A_343 = arith.muli %get3A_336, %mul3A_342 : vector<16xi32>
      %add3A_344 = arith.addi %mul3A_343, %get3A_340 : vector<16xi32>
      %gather3A_345 = tpu.vector_load_idx %arg6[%add3A_344] : memref<361xf32, #tpu.memory_space<vmem>>[vector<16xi32>], vector<16xf32>,
      %swap3A_346 = arith.constant 112 : index
      %swap3A_347 = tpu.vector_load %arg8[%swap3A_346] {strides = array<i32>} : memref<342xf32, #tpu.memory_space<vmem>>, vector<16xf32>,
      tpu.vector_store %arg8[%swap3A_346], %gather3A_345 {strides = array<i32>} : memref<342xf32, #tpu.memory_space<vmem>>, vector<16xf32>,
      %get3A_348 = arith.constant 0 : i32
      %get3A_349 = arith.index_cast %get3A_348 : i32 to index
      %get3A_350 = arith.constant 128 : index
      %get3A_351 = tpu.vector_load %arg7[%get3A_349, %get3A_350] {strides = array<i32>} : memref<2x342xi32, #tpu.memory_space<vmem>>, vector<16xi32>,
      %get3A_352 = arith.constant 1 : i32
      %get3A_353 = arith.index_cast %get3A_352 : i32 to index
      %get3A_354 = arith.constant 128 : index
      %get3A_355 = tpu.vector_load %arg7[%get3A_353, %get3A_354] {strides = array<i32>} : memref<2x342xi32, #tpu.memory_space<vmem>>, vector<16xi32>,
      %mul3A_356 = arith.constant 19 : i32
      %mul3A_357 = vector.broadcast %mul3A_356 : i32 to vector<16xi32>
      %mul3A_358 = arith.muli %get3A_351, %mul3A_357 : vector<16xi32>
      %add3A_359 = arith.addi %mul3A_358, %get3A_355 : vector<16xi32>
      %gather3A_360 = tpu.vector_load_idx %arg6[%add3A_359] : memref<361xf32, #tpu.memory_space<vmem>>[vector<16xi32>], vector<16xf32>,
      %swap3A_361 = arith.constant 128 : index
      %swap3A_362 = tpu.vector_load %arg8[%swap3A_361] {strides = array<i32>} : memref<342xf32, #tpu.memory_space<vmem>>, vector<16xf32>,
      tpu.vector_store %arg8[%swap3A_361], %gather3A_360 {strides = array<i32>} : memref<342xf32, #tpu.memory_space<vmem>>, vector<16xf32>,
      %get3A_363 = arith.constant 0 : i32
      %get3A_364 = arith.index_cast %get3A_363 : i32 to index
      %get3A_365 = arith.constant 144 : index
      %get3A_366 = tpu.vector_load %arg7[%get3A_364, %get3A_365] {strides = array<i32>} : memref<2x342xi32, #tpu.memory_space<vmem>>, vector<16xi32>,
      %get3A_367 = arith.constant 1 : i32
      %get3A_368 = arith.index_cast %get3A_367 : i32 to index
      %get3A_369 = arith.constant 144 : index
      %get3A_370 = tpu.vector_load %arg7[%get3A_368, %get3A_369] {strides = array<i32>} : memref<2x342xi32, #tpu.memory_space<vmem>>, vector<16xi32>,
      %mul3A_371 = arith.constant 19 : i32
      %mul3A_372 = vector.broadcast %mul3A_371 : i32 to vector<16xi32>
      %mul3A_373 = arith.muli %get3A_366, %mul3A_372 : vector<16xi32>
      %add3A_374 = arith.addi %mul3A_373, %get3A_370 : vector<16xi32>
      %gather3A_375 = tpu.vector_load_idx %arg6[%add3A_374] : memref<361xf32, #tpu.memory_space<vmem>>[vector<16xi32>], vector<16xf32>,
      %swap3A_376 = arith.constant 144 : index
      %swap3A_377 = tpu.vector_load %arg8[%swap3A_376] {strides = array<i32>} : memref<342xf32, #tpu.memory_space<vmem>>, vector<16xf32>,
      tpu.vector_store %arg8[%swap3A_376], %gather3A_375 {strides = array<i32>} : memref<342xf32, #tpu.memory_space<vmem>>, vector<16xf32>,
      %get3A_378 = arith.constant 0 : i32
      %get3A_379 = arith.index_cast %get3A_378 : i32 to index
      %get3A_380 = arith.constant 160 : index
      %get3A_381 = tpu.vector_load %arg7[%get3A_379, %get3A_380] {strides = array<i32>} : memref<2x342xi32, #tpu.memory_space<vmem>>, vector<16xi32>,
      %get3A_382 = arith.constant 1 : i32
      %get3A_383 = arith.index_cast %get3A_382 : i32 to index
      %get3A_384 = arith.constant 160 : index
      %get3A_385 = tpu.vector_load %arg7[%get3A_383, %get3A_384] {strides = array<i32>} : memref<2x342xi32, #tpu.memory_space<vmem>>, vector<16xi32>,
      %mul3A_386 = arith.constant 19 : i32
      %mul3A_387 = vector.broadcast %mul3A_386 : i32 to vector<16xi32>
      %mul3A_388 = arith.muli %get3A_381, %mul3A_387 : vector<16xi32>
      %add3A_389 = arith.addi %mul3A_388, %get3A_385 : vector<16xi32>
      %gather3A_390 = tpu.vector_load_idx %arg6[%add3A_389] : memref<361xf32, #tpu.memory_space<vmem>>[vector<16xi32>], vector<16xf32>,
      %swap3A_391 = arith.constant 160 : index
      %swap3A_392 = tpu.vector_load %arg8[%swap3A_391] {strides = array<i32>} : memref<342xf32, #tpu.memory_space<vmem>>, vector<16xf32>,
      tpu.vector_store %arg8[%swap3A_391], %gather3A_390 {strides = array<i32>} : memref<342xf32, #tpu.memory_space<vmem>>, vector<16xf32>,
      %get3A_393 = arith.constant 0 : i32
      %get3A_394 = arith.index_cast %get3A_393 : i32 to index
      %get3A_395 = arith.constant 176 : index
      %get3A_396 = tpu.vector_load %arg7[%get3A_394, %get3A_395] {strides = array<i32>} : memref<2x342xi32, #tpu.memory_space<vmem>>, vector<16xi32>,
      %get3A_397 = arith.constant 1 : i32
      %get3A_398 = arith.index_cast %get3A_397 : i32 to index
      %get3A_399 = arith.constant 176 : index
      %get3A_400 = tpu.vector_load %arg7[%get3A_398, %get3A_399] {strides = array<i32>} : memref<2x342xi32, #tpu.memory_space<vmem>>, vector<16xi32>,
      %mul3A_401 = arith.constant 19 : i32
      %mul3A_402 = vector.broadcast %mul3A_401 : i32 to vector<16xi32>
      %mul3A_403 = arith.muli %get3A_396, %mul3A_402 : vector<16xi32>
      %add3A_404 = arith.addi %mul3A_403, %get3A_400 : vector<16xi32>
      %gather3A_405 = tpu.vector_load_idx %arg6[%add3A_404] : memref<361xf32, #tpu.memory_space<vmem>>[vector<16xi32>], vector<16xf32>,
      %swap3A_406 = arith.constant 176 : index
      %swap3A_407 = tpu.vector_load %arg8[%swap3A_406] {strides = array<i32>} : memref<342xf32, #tpu.memory_space<vmem>>, vector<16xf32>,
      tpu.vector_store %arg8[%swap3A_406], %gather3A_405 {strides = array<i32>} : memref<342xf32, #tpu.memory_space<vmem>>, vector<16xf32>,
      %get3A_408 = arith.constant 0 : i32
      %get3A_409 = arith.index_cast %get3A_408 : i32 to index
      %get3A_410 = arith.constant 192 : index
      %get3A_411 = tpu.vector_load %arg7[%get3A_409, %get3A_410] {strides = array<i32>} : memref<2x342xi32, #tpu.memory_space<vmem>>, vector<16xi32>,
      %get3A_412 = arith.constant 1 : i32
      %get3A_413 = arith.index_cast %get3A_412 : i32 to index
      %get3A_414 = arith.constant 192 : index
      %get3A_415 = tpu.vector_load %arg7[%get3A_413, %get3A_414] {strides = array<i32>} : memref<2x342xi32, #tpu.memory_space<vmem>>, vector<16xi32>,
      %mul3A_416 = arith.constant 19 : i32
      %mul3A_417 = vector.broadcast %mul3A_416 : i32 to vector<16xi32>
      %mul3A_418 = arith.muli %get3A_411, %mul3A_417 : vector<16xi32>
      %add3A_419 = arith.addi %mul3A_418, %get3A_415 : vector<16xi32>
      %gather3A_420 = tpu.vector_load_idx %arg6[%add3A_419] : memref<361xf32, #tpu.memory_space<vmem>>[vector<16xi32>], vector<16xf32>,
      %swap3A_421 = arith.constant 192 : index
      %swap3A_422 = tpu.vector_load %arg8[%swap3A_421] {strides = array<i32>} : memref<342xf32, #tpu.memory_space<vmem>>, vector<16xf32>,
      tpu.vector_store %arg8[%swap3A_421], %gather3A_420 {strides = array<i32>} : memref<342xf32, #tpu.memory_space<vmem>>, vector<16xf32>,
      %get3A_423 = arith.constant 0 : i32
      %get3A_424 = arith.index_cast %get3A_423 : i32 to index
      %get3A_425 = arith.constant 208 : index
      %get3A_426 = tpu.vector_load %arg7[%get3A_424, %get3A_425] {strides = array<i32>} : memref<2x342xi32, #tpu.memory_space<vmem>>, vector<16xi32>,
      %get3A_427 = arith.constant 1 : i32
      %get3A_428 = arith.index_cast %get3A_427 : i32 to index
      %get3A_429 = arith.constant 208 : index
      %get3A_430 = tpu.vector_load %arg7[%get3A_428, %get3A_429] {strides = array<i32>} : memref<2x342xi32, #tpu.memory_space<vmem>>, vector<16xi32>,
      %mul3A_431 = arith.constant 19 : i32
      %mul3A_432 = vector.broadcast %mul3A_431 : i32 to vector<16xi32>
      %mul3A_433 = arith.muli %get3A_426, %mul3A_432 : vector<16xi32>
      %add3A_434 = arith.addi %mul3A_433, %get3A_430 : vector<16xi32>
      %gather3A_435 = tpu.vector_load_idx %arg6[%add3A_434] : memref<361xf32, #tpu.memory_space<vmem>>[vector<16xi32>], vector<16xf32>,
      %swap3A_436 = arith.constant 208 : index
      %swap3A_437 = tpu.vector_load %arg8[%swap3A_436] {strides = array<i32>} : memref<342xf32, #tpu.memory_space<vmem>>, vector<16xf32>,
      tpu.vector_store %arg8[%swap3A_436], %gather3A_435 {strides = array<i32>} : memref<342xf32, #tpu.memory_space<vmem>>, vector<16xf32>,
      %get3A_438 = arith.constant 0 : i32
      %get3A_439 = arith.index_cast %get3A_438 : i32 to index
      %get3A_440 = arith.constant 224 : index
      %get3A_441 = tpu.vector_load %arg7[%get3A_439, %get3A_440] {strides = array<i32>} : memref<2x342xi32, #tpu.memory_space<vmem>>, vector<16xi32>,
      %get3A_442 = arith.constant 1 : i32
      %get3A_443 = arith.index_cast %get3A_442 : i32 to index
      %get3A_444 = arith.constant 224 : index
      %get3A_445 = tpu.vector_load %arg7[%get3A_443, %get3A_444] {strides = array<i32>} : memref<2x342xi32, #tpu.memory_space<vmem>>, vector<16xi32>,
      %mul3A_446 = arith.constant 19 : i32
      %mul3A_447 = vector.broadcast %mul3A_446 : i32 to vector<16xi32>
      %mul3A_448 = arith.muli %get3A_441, %mul3A_447 : vector<16xi32>
      %add3A_449 = arith.addi %mul3A_448, %get3A_445 : vector<16xi32>
      %gather3A_450 = tpu.vector_load_idx %arg6[%add3A_449] : memref<361xf32, #tpu.memory_space<vmem>>[vector<16xi32>], vector<16xf32>,
      %swap3A_451 = arith.constant 224 : index
      %swap3A_452 = tpu.vector_load %arg8[%swap3A_451] {strides = array<i32>} : memref<342xf32, #tpu.memory_space<vmem>>, vector<16xf32>,
      tpu.vector_store %arg8[%swap3A_451], %gather3A_450 {strides = array<i32>} : memref<342xf32, #tpu.memory_space<vmem>>, vector<16xf32>,
      %get3A_453 = arith.constant 0 : i32
      %get3A_454 = arith.index_cast %get3A_453 : i32 to index
      %get3A_455 = arith.constant 240 : index
      %get3A_456 = tpu.vector_load %arg7[%get3A_454, %get3A_455] {strides = array<i32>} : memref<2x342xi32, #tpu.memory_space<vmem>>, vector<16xi32>,
      %get3A_457 = arith.constant 1 : i32
      %get3A_458 = arith.index_cast %get3A_457 : i32 to index
      %get3A_459 = arith.constant 240 : index
      %get3A_460 = tpu.vector_load %arg7[%get3A_458, %get3A_459] {strides = array<i32>} : memref<2x342xi32, #tpu.memory_space<vmem>>, vector<16xi32>,
      %mul3A_461 = arith.constant 19 : i32
      %mul3A_462 = vector.broadcast %mul3A_461 : i32 to vector<16xi32>
      %mul3A_463 = arith.muli %get3A_456, %mul3A_462 : vector<16xi32>
      %add3A_464 = arith.addi %mul3A_463, %get3A_460 : vector<16xi32>
      %gather3A_465 = tpu.vector_load_idx %arg6[%add3A_464] : memref<361xf32, #tpu.memory_space<vmem>>[vector<16xi32>], vector<16xf32>,
      %swap3A_466 = arith.constant 240 : index
      %swap3A_467 = tpu.vector_load %arg8[%swap3A_466] {strides = array<i32>} : memref<342xf32, #tpu.memory_space<vmem>>, vector<16xf32>,
      tpu.vector_store %arg8[%swap3A_466], %gather3A_465 {strides = array<i32>} : memref<342xf32, #tpu.memory_space<vmem>>, vector<16xf32>,
      %get3A_468 = arith.constant 0 : i32
      %get3A_469 = arith.index_cast %get3A_468 : i32 to index
      %get3A_470 = arith.constant 256 : index
      %get3A_471 = tpu.vector_load %arg7[%get3A_469, %get3A_470] {strides = array<i32>} : memref<2x342xi32, #tpu.memory_space<vmem>>, vector<16xi32>,
      %get3A_472 = arith.constant 1 : i32
      %get3A_473 = arith.index_cast %get3A_472 : i32 to index
      %get3A_474 = arith.constant 256 : index
      %get3A_475 = tpu.vector_load %arg7[%get3A_473, %get3A_474] {strides = array<i32>} : memref<2x342xi32, #tpu.memory_space<vmem>>, vector<16xi32>,
      %mul3A_476 = arith.constant 19 : i32
      %mul3A_477 = vector.broadcast %mul3A_476 : i32 to vector<16xi32>
      %mul3A_478 = arith.muli %get3A_471, %mul3A_477 : vector<16xi32>
      %add3A_479 = arith.addi %mul3A_478, %get3A_475 : vector<16xi32>
      %gather3A_480 = tpu.vector_load_idx %arg6[%add3A_479] : memref<361xf32, #tpu.memory_space<vmem>>[vector<16xi32>], vector<16xf32>,
      %swap3A_481 = arith.constant 256 : index
      %swap3A_482 = tpu.vector_load %arg8[%swap3A_481] {strides = array<i32>} : memref<342xf32, #tpu.memory_space<vmem>>, vector<16xf32>,
      tpu.vector_store %arg8[%swap3A_481], %gather3A_480 {strides = array<i32>} : memref<342xf32, #tpu.memory_space<vmem>>, vector<16xf32>,
      %get3A_483 = arith.constant 0 : i32
      %get3A_484 = arith.index_cast %get3A_483 : i32 to index
      %get3A_485 = arith.constant 272 : index
      %get3A_486 = tpu.vector_load %arg7[%get3A_484, %get3A_485] {strides = array<i32>} : memref<2x342xi32, #tpu.memory_space<vmem>>, vector<16xi32>,
      %get3A_487 = arith.constant 1 : i32
      %get3A_488 = arith.index_cast %get3A_487 : i32 to index
      %get3A_489 = arith.constant 272 : index
      %get3A_490 = tpu.vector_load %arg7[%get3A_488, %get3A_489] {strides = array<i32>} : memref<2x342xi32, #tpu.memory_space<vmem>>, vector<16xi32>,
      %mul3A_491 = arith.constant 19 : i32
      %mul3A_492 = vector.broadcast %mul3A_491 : i32 to vector<16xi32>
      %mul3A_493 = arith.muli %get3A_486, %mul3A_492 : vector<16xi32>
      %add3A_494 = arith.addi %mul3A_493, %get3A_490 : vector<16xi32>
      %gather3A_495 = tpu.vector_load_idx %arg6[%add3A_494] : memref<361xf32, #tpu.memory_space<vmem>>[vector<16xi32>], vector<16xf32>,
      %swap3A_496 = arith.constant 272 : index
      %swap3A_497 = tpu.vector_load %arg8[%swap3A_496] {strides = array<i32>} : memref<342xf32, #tpu.memory_space<vmem>>, vector<16xf32>,
      tpu.vector_store %arg8[%swap3A_496], %gather3A_495 {strides = array<i32>} : memref<342xf32, #tpu.memory_space<vmem>>, vector<16xf32>,
      %get3A_498 = arith.constant 0 : i32
      %get3A_499 = arith.index_cast %get3A_498 : i32 to index
      %get3A_500 = arith.constant 288 : index
      %get3A_501 = tpu.vector_load %arg7[%get3A_499, %get3A_500] {strides = array<i32>} : memref<2x342xi32, #tpu.memory_space<vmem>>, vector<16xi32>,
      %get3A_502 = arith.constant 1 : i32
      %get3A_503 = arith.index_cast %get3A_502 : i32 to index
      %get3A_504 = arith.constant 288 : index
      %get3A_505 = tpu.vector_load %arg7[%get3A_503, %get3A_504] {strides = array<i32>} : memref<2x342xi32, #tpu.memory_space<vmem>>, vector<16xi32>,
      %mul3A_506 = arith.constant 19 : i32
      %mul3A_507 = vector.broadcast %mul3A_506 : i32 to vector<16xi32>
      %mul3A_508 = arith.muli %get3A_501, %mul3A_507 : vector<16xi32>
      %add3A_509 = arith.addi %mul3A_508, %get3A_505 : vector<16xi32>
      %gather3A_510 = tpu.vector_load_idx %arg6[%add3A_509] : memref<361xf32, #tpu.memory_space<vmem>>[vector<16xi32>], vector<16xf32>,
      %swap3A_511 = arith.constant 288 : index
      %swap3A_512 = tpu.vector_load %arg8[%swap3A_511] {strides = array<i32>} : memref<342xf32, #tpu.memory_space<vmem>>, vector<16xf32>,
      tpu.vector_store %arg8[%swap3A_511], %gather3A_510 {strides = array<i32>} : memref<342xf32, #tpu.memory_space<vmem>>, vector<16xf32>,
      %get3A_513 = arith.constant 0 : i32
      %get3A_514 = arith.index_cast %get3A_513 : i32 to index
      %get3A_515 = arith.constant 304 : index
      %get3A_516 = tpu.vector_load %arg7[%get3A_514, %get3A_515] {strides = array<i32>} : memref<2x342xi32, #tpu.memory_space<vmem>>, vector<16xi32>,
      %get3A_517 = arith.constant 1 : i32
      %get3A_518 = arith.index_cast %get3A_517 : i32 to index
      %get3A_519 = arith.constant 304 : index
      %get3A_520 = tpu.vector_load %arg7[%get3A_518, %get3A_519] {strides = array<i32>} : memref<2x342xi32, #tpu.memory_space<vmem>>, vector<16xi32>,
      %mul3A_521 = arith.constant 19 : i32
      %mul3A_522 = vector.broadcast %mul3A_521 : i32 to vector<16xi32>
      %mul3A_523 = arith.muli %get3A_516, %mul3A_522 : vector<16xi32>
      %add3A_524 = arith.addi %mul3A_523, %get3A_520 : vector<16xi32>
      %gather3A_525 = tpu.vector_load_idx %arg6[%add3A_524] : memref<361xf32, #tpu.memory_space<vmem>>[vector<16xi32>], vector<16xf32>,
      %swap3A_526 = arith.constant 304 : index
      %swap3A_527 = tpu.vector_load %arg8[%swap3A_526] {strides = array<i32>} : memref<342xf32, #tpu.memory_space<vmem>>, vector<16xf32>,
      tpu.vector_store %arg8[%swap3A_526], %gather3A_525 {strides = array<i32>} : memref<342xf32, #tpu.memory_space<vmem>>, vector<16xf32>,
      %get3A_528 = arith.constant 0 : i32
      %get3A_529 = arith.index_cast %get3A_528 : i32 to index
      %get3A_530 = arith.constant 320 : index
      %get3A_531 = tpu.vector_load %arg7[%get3A_529, %get3A_530] {strides = array<i32>} : memref<2x342xi32, #tpu.memory_space<vmem>>, vector<16xi32>,
      %get3A_532 = arith.constant 1 : i32
      %get3A_533 = arith.index_cast %get3A_532 : i32 to index
      %get3A_534 = arith.constant 320 : index
      %get3A_535 = tpu.vector_load %arg7[%get3A_533, %get3A_534] {strides = array<i32>} : memref<2x342xi32, #tpu.memory_space<vmem>>, vector<16xi32>,
      %mul3A_536 = arith.constant 19 : i32
      %mul3A_537 = vector.broadcast %mul3A_536 : i32 to vector<16xi32>
      %mul3A_538 = arith.muli %get3A_531, %mul3A_537 : vector<16xi32>
      %add3A_539 = arith.addi %mul3A_538, %get3A_535 : vector<16xi32>
      %gather3A_540 = tpu.vector_load_idx %arg6[%add3A_539] : memref<361xf32, #tpu.memory_space<vmem>>[vector<16xi32>], vector<16xf32>,
      %swap3A_541 = arith.constant 320 : index
      %swap3A_542 = tpu.vector_load %arg8[%swap3A_541] {strides = array<i32>} : memref<342xf32, #tpu.memory_space<vmem>>, vector<16xf32>,
      tpu.vector_store %arg8[%swap3A_541], %gather3A_540 {strides = array<i32>} : memref<342xf32, #tpu.memory_space<vmem>>, vector<16xf32>,
      %get3A_543 = arith.constant 0 : i32
      %get3A_544 = arith.index_cast %get3A_543 : i32 to index
      %get3A_545 = arith.constant 326 : index
      %get3A_546 = tpu.vector_load %arg7[%get3A_544, %get3A_545] {strides = array<i32>} : memref<2x342xi32, #tpu.memory_space<vmem>>, vector<16xi32>,
      %get3A_547 = arith.constant 1 : i32
      %get3A_548 = arith.index_cast %get3A_547 : i32 to index
      %get3A_549 = arith.constant 326 : index
      %get3A_550 = tpu.vector_load %arg7[%get3A_548, %get3A_549] {strides = array<i32>} : memref<2x342xi32, #tpu.memory_space<vmem>>, vector<16xi32>,
      %mul3A_551 = arith.constant 19 : i32
      %mul3A_552 = vector.broadcast %mul3A_551 : i32 to vector<16xi32>
      %mul3A_553 = arith.muli %get3A_546, %mul3A_552 : vector<16xi32>
      %add3A_554 = arith.addi %mul3A_553, %get3A_550 : vector<16xi32>
      %gather3A_555 = tpu.vector_load_idx %arg6[%add3A_554] : memref<361xf32, #tpu.memory_space<vmem>>[vector<16xi32>], vector<16xf32>,
      %swap3A_556 = arith.constant 326 : index
      %swap3A_557 = tpu.vector_load %arg8[%swap3A_556] {strides = array<i32>} : memref<342xf32, #tpu.memory_space<vmem>>, vector<16xf32>,
      tpu.vector_store %arg8[%swap3A_556], %gather3A_555 {strides = array<i32>} : memref<342xf32, #tpu.memory_space<vmem>>, vector<16xf32>,
      "tpu.region"() ({
        %run_scoped3A = tpu.sem_alloc : memref<!tpu.dma_semaphore, #tpu.memory_space<semaphore_mem>>
        tpu.enqueue_dma source(%arg8 : memref<342xf32, #tpu.memory_space<vmem>>) target(%arg4 : memref<342xf32, #tpu.memory_space<hbm>>) target_semaphore(%run_scoped3A : memref<!tpu.dma_semaphore, #tpu.memory_space<semaphore_mem>>)
        tpu.wait_dma2 semaphore(%run_scoped3A : memref<!tpu.dma_semaphore, #tpu.memory_space<semaphore_mem>>) src(%arg8 : memref<342xf32, #tpu.memory_space<vmem>>) dst(%arg4 : memref<342xf32, #tpu.memory_space<hbm>>)
        tpu.yield
      }) : () -> ()
    } else {
    }
    return
  }
}

module attributes {stable_mosaic.version = 14 : i64} {
  func.func @_tc_fused(%arg0: memref<19x1025xf32, #tpu.memory_space<vmem>>, %arg1: memref<2x342xi32, #tpu.memory_space<vmem>>, %arg2: memref<1xf32, #tpu.memory_space<vmem>>, %arg3: memref<1025x512xf32, #tpu.memory_space<vmem>>, %arg4: memref<1025x512xf32, #tpu.memory_space<vmem>>, %arg5: memref<512xf32, #tpu.memory_space<vmem>>, %arg6: memref<512xf32, #tpu.memory_space<vmem>>, %arg7: memref<512x512xf32, #tpu.memory_space<vmem>>, %arg8: memref<512x512xf32, #tpu.memory_space<vmem>>, %arg9: memref<512xf32, #tpu.memory_space<vmem>>, %arg10: memref<512xf32, #tpu.memory_space<vmem>>, %arg11: memref<1x512xf32, #tpu.memory_space<vmem>>, %arg12: memref<512xf32, #tpu.memory_space<vmem>>, %arg13: memref<19x19xf32, #tpu.memory_space<vmem>>, %arg14: memref<19x19xf32, #tpu.memory_space<vmem>>) attributes {dimension_semantics = [], scalar_prefetch = 0 : i64, scratch_operands = 0 : i64, tpu.core_type = #tpu.core_type<tc>} {
    %get3A = arith.constant 0 : index
    %get3A_0 = arith.constant 0 : index
    %get3A_1 = vector.load %arg1[%get3A, %get3A_0] : memref<2x342xi32, #tpu.memory_space<vmem>>, vector<1x342xi32>
    %get3A_2 = arith.constant 1 : index
    %get3A_3 = arith.constant 0 : index
    %get3A_4 = vector.load %arg1[%get3A_2, %get3A_3] : memref<2x342xi32, #tpu.memory_space<vmem>>, vector<1x342xi32>
    %iota3A = tpu.iota {dimensions = array<i32: 0>} : vector<19x342xi32>
    %eq3A = vector.broadcast %get3A_1 : vector<1x342xi32> to vector<19x342xi32>
    %eq3A_5 = arith.cmpi eq, %iota3A, %eq3A : vector<19x342xi32>
    %convert_element_type3A = arith.extui %eq3A_5 : vector<19x342xi1> to vector<19x342xi32>
    %convert_element_type3A_6 = arith.sitofp %convert_element_type3A : vector<19x342xi32> to vector<19x342xf32>
    %eq3A_7 = vector.broadcast %get3A_4 : vector<1x342xi32> to vector<19x342xi32>
    %eq3A_8 = arith.cmpi eq, %iota3A, %eq3A_7 : vector<19x342xi32>
    %convert_element_type3A_9 = arith.extui %eq3A_8 : vector<19x342xi1> to vector<19x342xi32>
    %convert_element_type3A_10 = arith.sitofp %convert_element_type3A_9 : vector<19x342xi32> to vector<19x342xf32>
    %dot_general3A = arith.constant dense<0.000000e+00> : vector<19x19xf32>
    %dot_general3A_11 = tpu.matmul %convert_element_type3A_6, %convert_element_type3A_10, %dot_general3A {dimension_numbers = #tpu.dot_dimension_numbers<[1], [1], [0], [0], [0, 0, 1, 0], [], []>, transpose_lhs_hint = false} : vector<19x342xf32>, vector<19x342xf32>, vector<19x19xf32> -> vector<19x19xf32>
    %gt3A = arith.constant 0.000000e+00 : f32
    %gt3A_12 = vector.broadcast %gt3A : f32 to vector<19x19xf32>
    %gt3A_13 = arith.cmpf ogt, %dot_general3A_11, %gt3A_12 : vector<19x19xf32>
    %get3A_14 = arith.constant 0 : index
    %get3A_15 = arith.constant 0 : index
    %get3A_16 = vector.load %arg0[%get3A_14, %get3A_15] : memref<19x1025xf32, #tpu.memory_space<vmem>>, vector<19x1025xf32>
    %get3A_17 = arith.constant 0 : index
    %get3A_18 = arith.constant 0 : index
    %get3A_19 = vector.load %arg3[%get3A_17, %get3A_18] : memref<1025x512xf32, #tpu.memory_space<vmem>>, vector<1025x512xf32>
    %get3A_20 = arith.constant 0 : index
    %get3A_21 = arith.constant 0 : index
    %get3A_22 = vector.load %arg4[%get3A_20, %get3A_21] : memref<1025x512xf32, #tpu.memory_space<vmem>>, vector<1025x512xf32>
    %get3A_23 = arith.constant 0 : index
    %get3A_24 = vector.load %arg5[%get3A_23] : memref<512xf32, #tpu.memory_space<vmem>>, vector<512xf32>
    %reshape3A = vector.shape_cast %get3A_24 : vector<512xf32> to vector<1x512xf32>
    %get3A_25 = arith.constant 0 : index
    %get3A_26 = vector.load %arg6[%get3A_25] : memref<512xf32, #tpu.memory_space<vmem>>, vector<512xf32>
    %reshape3A_27 = vector.shape_cast %get3A_26 : vector<512xf32> to vector<1x512xf32>
    %dot_general3A_28 = arith.constant dense<0.000000e+00> : vector<19x512xf32>
    %dot_general3A_29 = tpu.matmul %get3A_16, %get3A_19, %dot_general3A_28 {dimension_numbers = #tpu.dot_dimension_numbers<[1], [0], [0], [1], [0, 0, 1, 1], [], []>, transpose_lhs_hint = false} : vector<19x1025xf32>, vector<1025x512xf32>, vector<19x512xf32> -> vector<19x512xf32>
    %dot_general3A_30 = arith.constant dense<0.000000e+00> : vector<19x512xf32>
    %dot_general3A_31 = tpu.matmul %get3A_16, %get3A_22, %dot_general3A_30 {dimension_numbers = #tpu.dot_dimension_numbers<[1], [0], [0], [1], [0, 0, 1, 1], [], []>, transpose_lhs_hint = false} : vector<19x1025xf32>, vector<1025x512xf32>, vector<19x512xf32> -> vector<19x512xf32>
    %dot_general3A_32 = arith.constant dense<0.000000e+00> : vector<1x19xf32>
    %dot_general3A_33 = tpu.matmul %reshape3A, %dot_general3A_29, %dot_general3A_32 {dimension_numbers = #tpu.dot_dimension_numbers<[1], [1], [0], [0], [0, 0, 1, 0], [], []>, transpose_lhs_hint = false} : vector<1x512xf32>, vector<19x512xf32>, vector<1x19xf32> -> vector<1x19xf32>
    %dot_general3A_34 = arith.constant dense<0.000000e+00> : vector<1x19xf32>
    %dot_general3A_35 = tpu.matmul %reshape3A, %dot_general3A_31, %dot_general3A_34 {dimension_numbers = #tpu.dot_dimension_numbers<[1], [1], [0], [0], [0, 0, 1, 0], [], []>, transpose_lhs_hint = false} : vector<1x512xf32>, vector<19x512xf32>, vector<1x19xf32> -> vector<1x19xf32>
    %slice3A = vector.extract_strided_slice %dot_general3A_29 {offsets = [0, 0], sizes = [1, 512], strides = [1, 1]} : vector<19x512xf32> to vector<1x512xf32>
    %add3A = vector.broadcast %slice3A : vector<1x512xf32> to vector<19x512xf32>
    %add3A_36 = arith.addf %add3A, %dot_general3A_31 : vector<19x512xf32>
    %abs3A = math.absf %add3A_36 : vector<19x512xf32>
    %dot_general3A_37 = arith.constant dense<0.000000e+00> : vector<1x19xf32>
    %dot_general3A_38 = tpu.matmul %reshape3A, %abs3A, %dot_general3A_37 {dimension_numbers = #tpu.dot_dimension_numbers<[1], [1], [0], [0], [0, 0, 1, 0], [], []>, transpose_lhs_hint = false} : vector<1x512xf32>, vector<19x512xf32>, vector<1x19xf32> -> vector<1x19xf32>
    %slice3A_39 = vector.extract_strided_slice %dot_general3A_33 {offsets = [0, 0], sizes = [1, 1], strides = [1, 1]} : vector<1x19xf32> to vector<1x1xf32>
    %add3A_40 = vector.broadcast %slice3A_39 : vector<1x1xf32> to vector<1x19xf32>
    %add3A_41 = arith.addf %add3A_40, %dot_general3A_35 : vector<1x19xf32>
    %mul3A = arith.constant 6.000000e-01 : f32
    %mul3A_42 = vector.broadcast %mul3A : f32 to vector<1x19xf32>
    %mul3A_43 = arith.mulf %mul3A_42, %add3A_41 : vector<1x19xf32>
    %mul3A_44 = arith.constant 4.000000e-01 : f32
    %mul3A_45 = vector.broadcast %mul3A_44 : f32 to vector<1x19xf32>
    %mul3A_46 = arith.mulf %mul3A_45, %dot_general3A_38 : vector<1x19xf32>
    %add3A_47 = arith.addf %mul3A_43, %mul3A_46 : vector<1x19xf32>
    %slice3A_48 = vector.extract_strided_slice %dot_general3A_29 {offsets = [1, 0], sizes = [1, 512], strides = [1, 1]} : vector<19x512xf32> to vector<1x512xf32>
    %add3A_49 = vector.broadcast %slice3A_48 : vector<1x512xf32> to vector<19x512xf32>
    %add3A_50 = arith.addf %add3A_49, %dot_general3A_31 : vector<19x512xf32>
    %abs3A_51 = math.absf %add3A_50 : vector<19x512xf32>
    %dot_general3A_52 = arith.constant dense<0.000000e+00> : vector<1x19xf32>
    %dot_general3A_53 = tpu.matmul %reshape3A, %abs3A_51, %dot_general3A_52 {dimension_numbers = #tpu.dot_dimension_numbers<[1], [1], [0], [0], [0, 0, 1, 0], [], []>, transpose_lhs_hint = false} : vector<1x512xf32>, vector<19x512xf32>, vector<1x19xf32> -> vector<1x19xf32>
    %slice3A_54 = vector.extract_strided_slice %dot_general3A_33 {offsets = [0, 1], sizes = [1, 1], strides = [1, 1]} : vector<1x19xf32> to vector<1x1xf32>
    %add3A_55 = vector.broadcast %slice3A_54 : vector<1x1xf32> to vector<1x19xf32>
    %add3A_56 = arith.addf %add3A_55, %dot_general3A_35 : vector<1x19xf32>
    %mul3A_57 = arith.constant 6.000000e-01 : f32
    %mul3A_58 = vector.broadcast %mul3A_57 : f32 to vector<1x19xf32>
    %mul3A_59 = arith.mulf %mul3A_58, %add3A_56 : vector<1x19xf32>
    %mul3A_60 = arith.constant 4.000000e-01 : f32
    %mul3A_61 = vector.broadcast %mul3A_60 : f32 to vector<1x19xf32>
    %mul3A_62 = arith.mulf %mul3A_61, %dot_general3A_53 : vector<1x19xf32>
    %add3A_63 = arith.addf %mul3A_59, %mul3A_62 : vector<1x19xf32>
    %slice3A_64 = vector.extract_strided_slice %dot_general3A_29 {offsets = [2, 0], sizes = [1, 512], strides = [1, 1]} : vector<19x512xf32> to vector<1x512xf32>
    %add3A_65 = vector.broadcast %slice3A_64 : vector<1x512xf32> to vector<19x512xf32>
    %add3A_66 = arith.addf %add3A_65, %dot_general3A_31 : vector<19x512xf32>
    %abs3A_67 = math.absf %add3A_66 : vector<19x512xf32>
    %dot_general3A_68 = arith.constant dense<0.000000e+00> : vector<1x19xf32>
    %dot_general3A_69 = tpu.matmul %reshape3A, %abs3A_67, %dot_general3A_68 {dimension_numbers = #tpu.dot_dimension_numbers<[1], [1], [0], [0], [0, 0, 1, 0], [], []>, transpose_lhs_hint = false} : vector<1x512xf32>, vector<19x512xf32>, vector<1x19xf32> -> vector<1x19xf32>
    %slice3A_70 = vector.extract_strided_slice %dot_general3A_33 {offsets = [0, 2], sizes = [1, 1], strides = [1, 1]} : vector<1x19xf32> to vector<1x1xf32>
    %add3A_71 = vector.broadcast %slice3A_70 : vector<1x1xf32> to vector<1x19xf32>
    %add3A_72 = arith.addf %add3A_71, %dot_general3A_35 : vector<1x19xf32>
    %mul3A_73 = arith.constant 6.000000e-01 : f32
    %mul3A_74 = vector.broadcast %mul3A_73 : f32 to vector<1x19xf32>
    %mul3A_75 = arith.mulf %mul3A_74, %add3A_72 : vector<1x19xf32>
    %mul3A_76 = arith.constant 4.000000e-01 : f32
    %mul3A_77 = vector.broadcast %mul3A_76 : f32 to vector<1x19xf32>
    %mul3A_78 = arith.mulf %mul3A_77, %dot_general3A_69 : vector<1x19xf32>
    %add3A_79 = arith.addf %mul3A_75, %mul3A_78 : vector<1x19xf32>
    %slice3A_80 = vector.extract_strided_slice %dot_general3A_29 {offsets = [3, 0], sizes = [1, 512], strides = [1, 1]} : vector<19x512xf32> to vector<1x512xf32>
    %add3A_81 = vector.broadcast %slice3A_80 : vector<1x512xf32> to vector<19x512xf32>
    %add3A_82 = arith.addf %add3A_81, %dot_general3A_31 : vector<19x512xf32>
    %abs3A_83 = math.absf %add3A_82 : vector<19x512xf32>
    %dot_general3A_84 = arith.constant dense<0.000000e+00> : vector<1x19xf32>
    %dot_general3A_85 = tpu.matmul %reshape3A, %abs3A_83, %dot_general3A_84 {dimension_numbers = #tpu.dot_dimension_numbers<[1], [1], [0], [0], [0, 0, 1, 0], [], []>, transpose_lhs_hint = false} : vector<1x512xf32>, vector<19x512xf32>, vector<1x19xf32> -> vector<1x19xf32>
    %slice3A_86 = vector.extract_strided_slice %dot_general3A_33 {offsets = [0, 3], sizes = [1, 1], strides = [1, 1]} : vector<1x19xf32> to vector<1x1xf32>
    %add3A_87 = vector.broadcast %slice3A_86 : vector<1x1xf32> to vector<1x19xf32>
    %add3A_88 = arith.addf %add3A_87, %dot_general3A_35 : vector<1x19xf32>
    %mul3A_89 = arith.constant 6.000000e-01 : f32
    %mul3A_90 = vector.broadcast %mul3A_89 : f32 to vector<1x19xf32>
    %mul3A_91 = arith.mulf %mul3A_90, %add3A_88 : vector<1x19xf32>
    %mul3A_92 = arith.constant 4.000000e-01 : f32
    %mul3A_93 = vector.broadcast %mul3A_92 : f32 to vector<1x19xf32>
    %mul3A_94 = arith.mulf %mul3A_93, %dot_general3A_85 : vector<1x19xf32>
    %add3A_95 = arith.addf %mul3A_91, %mul3A_94 : vector<1x19xf32>
    %slice3A_96 = vector.extract_strided_slice %dot_general3A_29 {offsets = [4, 0], sizes = [1, 512], strides = [1, 1]} : vector<19x512xf32> to vector<1x512xf32>
    %add3A_97 = vector.broadcast %slice3A_96 : vector<1x512xf32> to vector<19x512xf32>
    %add3A_98 = arith.addf %add3A_97, %dot_general3A_31 : vector<19x512xf32>
    %abs3A_99 = math.absf %add3A_98 : vector<19x512xf32>
    %dot_general3A_100 = arith.constant dense<0.000000e+00> : vector<1x19xf32>
    %dot_general3A_101 = tpu.matmul %reshape3A, %abs3A_99, %dot_general3A_100 {dimension_numbers = #tpu.dot_dimension_numbers<[1], [1], [0], [0], [0, 0, 1, 0], [], []>, transpose_lhs_hint = false} : vector<1x512xf32>, vector<19x512xf32>, vector<1x19xf32> -> vector<1x19xf32>
    %slice3A_102 = vector.extract_strided_slice %dot_general3A_33 {offsets = [0, 4], sizes = [1, 1], strides = [1, 1]} : vector<1x19xf32> to vector<1x1xf32>
    %add3A_103 = vector.broadcast %slice3A_102 : vector<1x1xf32> to vector<1x19xf32>
    %add3A_104 = arith.addf %add3A_103, %dot_general3A_35 : vector<1x19xf32>
    %mul3A_105 = arith.constant 6.000000e-01 : f32
    %mul3A_106 = vector.broadcast %mul3A_105 : f32 to vector<1x19xf32>
    %mul3A_107 = arith.mulf %mul3A_106, %add3A_104 : vector<1x19xf32>
    %mul3A_108 = arith.constant 4.000000e-01 : f32
    %mul3A_109 = vector.broadcast %mul3A_108 : f32 to vector<1x19xf32>
    %mul3A_110 = arith.mulf %mul3A_109, %dot_general3A_101 : vector<1x19xf32>
    %add3A_111 = arith.addf %mul3A_107, %mul3A_110 : vector<1x19xf32>
    %slice3A_112 = vector.extract_strided_slice %dot_general3A_29 {offsets = [5, 0], sizes = [1, 512], strides = [1, 1]} : vector<19x512xf32> to vector<1x512xf32>
    %add3A_113 = vector.broadcast %slice3A_112 : vector<1x512xf32> to vector<19x512xf32>
    %add3A_114 = arith.addf %add3A_113, %dot_general3A_31 : vector<19x512xf32>
    %abs3A_115 = math.absf %add3A_114 : vector<19x512xf32>
    %dot_general3A_116 = arith.constant dense<0.000000e+00> : vector<1x19xf32>
    %dot_general3A_117 = tpu.matmul %reshape3A, %abs3A_115, %dot_general3A_116 {dimension_numbers = #tpu.dot_dimension_numbers<[1], [1], [0], [0], [0, 0, 1, 0], [], []>, transpose_lhs_hint = false} : vector<1x512xf32>, vector<19x512xf32>, vector<1x19xf32> -> vector<1x19xf32>
    %slice3A_118 = vector.extract_strided_slice %dot_general3A_33 {offsets = [0, 5], sizes = [1, 1], strides = [1, 1]} : vector<1x19xf32> to vector<1x1xf32>
    %add3A_119 = vector.broadcast %slice3A_118 : vector<1x1xf32> to vector<1x19xf32>
    %add3A_120 = arith.addf %add3A_119, %dot_general3A_35 : vector<1x19xf32>
    %mul3A_121 = arith.constant 6.000000e-01 : f32
    %mul3A_122 = vector.broadcast %mul3A_121 : f32 to vector<1x19xf32>
    %mul3A_123 = arith.mulf %mul3A_122, %add3A_120 : vector<1x19xf32>
    %mul3A_124 = arith.constant 4.000000e-01 : f32
    %mul3A_125 = vector.broadcast %mul3A_124 : f32 to vector<1x19xf32>
    %mul3A_126 = arith.mulf %mul3A_125, %dot_general3A_117 : vector<1x19xf32>
    %add3A_127 = arith.addf %mul3A_123, %mul3A_126 : vector<1x19xf32>
    %slice3A_128 = vector.extract_strided_slice %dot_general3A_29 {offsets = [6, 0], sizes = [1, 512], strides = [1, 1]} : vector<19x512xf32> to vector<1x512xf32>
    %add3A_129 = vector.broadcast %slice3A_128 : vector<1x512xf32> to vector<19x512xf32>
    %add3A_130 = arith.addf %add3A_129, %dot_general3A_31 : vector<19x512xf32>
    %abs3A_131 = math.absf %add3A_130 : vector<19x512xf32>
    %dot_general3A_132 = arith.constant dense<0.000000e+00> : vector<1x19xf32>
    %dot_general3A_133 = tpu.matmul %reshape3A, %abs3A_131, %dot_general3A_132 {dimension_numbers = #tpu.dot_dimension_numbers<[1], [1], [0], [0], [0, 0, 1, 0], [], []>, transpose_lhs_hint = false} : vector<1x512xf32>, vector<19x512xf32>, vector<1x19xf32> -> vector<1x19xf32>
    %slice3A_134 = vector.extract_strided_slice %dot_general3A_33 {offsets = [0, 6], sizes = [1, 1], strides = [1, 1]} : vector<1x19xf32> to vector<1x1xf32>
    %add3A_135 = vector.broadcast %slice3A_134 : vector<1x1xf32> to vector<1x19xf32>
    %add3A_136 = arith.addf %add3A_135, %dot_general3A_35 : vector<1x19xf32>
    %mul3A_137 = arith.constant 6.000000e-01 : f32
    %mul3A_138 = vector.broadcast %mul3A_137 : f32 to vector<1x19xf32>
    %mul3A_139 = arith.mulf %mul3A_138, %add3A_136 : vector<1x19xf32>
    %mul3A_140 = arith.constant 4.000000e-01 : f32
    %mul3A_141 = vector.broadcast %mul3A_140 : f32 to vector<1x19xf32>
    %mul3A_142 = arith.mulf %mul3A_141, %dot_general3A_133 : vector<1x19xf32>
    %add3A_143 = arith.addf %mul3A_139, %mul3A_142 : vector<1x19xf32>
    %slice3A_144 = vector.extract_strided_slice %dot_general3A_29 {offsets = [7, 0], sizes = [1, 512], strides = [1, 1]} : vector<19x512xf32> to vector<1x512xf32>
    %add3A_145 = vector.broadcast %slice3A_144 : vector<1x512xf32> to vector<19x512xf32>
    %add3A_146 = arith.addf %add3A_145, %dot_general3A_31 : vector<19x512xf32>
    %abs3A_147 = math.absf %add3A_146 : vector<19x512xf32>
    %dot_general3A_148 = arith.constant dense<0.000000e+00> : vector<1x19xf32>
    %dot_general3A_149 = tpu.matmul %reshape3A, %abs3A_147, %dot_general3A_148 {dimension_numbers = #tpu.dot_dimension_numbers<[1], [1], [0], [0], [0, 0, 1, 0], [], []>, transpose_lhs_hint = false} : vector<1x512xf32>, vector<19x512xf32>, vector<1x19xf32> -> vector<1x19xf32>
    %slice3A_150 = vector.extract_strided_slice %dot_general3A_33 {offsets = [0, 7], sizes = [1, 1], strides = [1, 1]} : vector<1x19xf32> to vector<1x1xf32>
    %add3A_151 = vector.broadcast %slice3A_150 : vector<1x1xf32> to vector<1x19xf32>
    %add3A_152 = arith.addf %add3A_151, %dot_general3A_35 : vector<1x19xf32>
    %mul3A_153 = arith.constant 6.000000e-01 : f32
    %mul3A_154 = vector.broadcast %mul3A_153 : f32 to vector<1x19xf32>
    %mul3A_155 = arith.mulf %mul3A_154, %add3A_152 : vector<1x19xf32>
    %mul3A_156 = arith.constant 4.000000e-01 : f32
    %mul3A_157 = vector.broadcast %mul3A_156 : f32 to vector<1x19xf32>
    %mul3A_158 = arith.mulf %mul3A_157, %dot_general3A_149 : vector<1x19xf32>
    %add3A_159 = arith.addf %mul3A_155, %mul3A_158 : vector<1x19xf32>
    %slice3A_160 = vector.extract_strided_slice %dot_general3A_29 {offsets = [8, 0], sizes = [1, 512], strides = [1, 1]} : vector<19x512xf32> to vector<1x512xf32>
    %add3A_161 = vector.broadcast %slice3A_160 : vector<1x512xf32> to vector<19x512xf32>
    %add3A_162 = arith.addf %add3A_161, %dot_general3A_31 : vector<19x512xf32>
    %abs3A_163 = math.absf %add3A_162 : vector<19x512xf32>
    %dot_general3A_164 = arith.constant dense<0.000000e+00> : vector<1x19xf32>
    %dot_general3A_165 = tpu.matmul %reshape3A, %abs3A_163, %dot_general3A_164 {dimension_numbers = #tpu.dot_dimension_numbers<[1], [1], [0], [0], [0, 0, 1, 0], [], []>, transpose_lhs_hint = false} : vector<1x512xf32>, vector<19x512xf32>, vector<1x19xf32> -> vector<1x19xf32>
    %slice3A_166 = vector.extract_strided_slice %dot_general3A_33 {offsets = [0, 8], sizes = [1, 1], strides = [1, 1]} : vector<1x19xf32> to vector<1x1xf32>
    %add3A_167 = vector.broadcast %slice3A_166 : vector<1x1xf32> to vector<1x19xf32>
    %add3A_168 = arith.addf %add3A_167, %dot_general3A_35 : vector<1x19xf32>
    %mul3A_169 = arith.constant 6.000000e-01 : f32
    %mul3A_170 = vector.broadcast %mul3A_169 : f32 to vector<1x19xf32>
    %mul3A_171 = arith.mulf %mul3A_170, %add3A_168 : vector<1x19xf32>
    %mul3A_172 = arith.constant 4.000000e-01 : f32
    %mul3A_173 = vector.broadcast %mul3A_172 : f32 to vector<1x19xf32>
    %mul3A_174 = arith.mulf %mul3A_173, %dot_general3A_165 : vector<1x19xf32>
    %add3A_175 = arith.addf %mul3A_171, %mul3A_174 : vector<1x19xf32>
    %slice3A_176 = vector.extract_strided_slice %dot_general3A_29 {offsets = [9, 0], sizes = [1, 512], strides = [1, 1]} : vector<19x512xf32> to vector<1x512xf32>
    %add3A_177 = vector.broadcast %slice3A_176 : vector<1x512xf32> to vector<19x512xf32>
    %add3A_178 = arith.addf %add3A_177, %dot_general3A_31 : vector<19x512xf32>
    %abs3A_179 = math.absf %add3A_178 : vector<19x512xf32>
    %dot_general3A_180 = arith.constant dense<0.000000e+00> : vector<1x19xf32>
    %dot_general3A_181 = tpu.matmul %reshape3A, %abs3A_179, %dot_general3A_180 {dimension_numbers = #tpu.dot_dimension_numbers<[1], [1], [0], [0], [0, 0, 1, 0], [], []>, transpose_lhs_hint = false} : vector<1x512xf32>, vector<19x512xf32>, vector<1x19xf32> -> vector<1x19xf32>
    %slice3A_182 = vector.extract_strided_slice %dot_general3A_33 {offsets = [0, 9], sizes = [1, 1], strides = [1, 1]} : vector<1x19xf32> to vector<1x1xf32>
    %add3A_183 = vector.broadcast %slice3A_182 : vector<1x1xf32> to vector<1x19xf32>
    %add3A_184 = arith.addf %add3A_183, %dot_general3A_35 : vector<1x19xf32>
    %mul3A_185 = arith.constant 6.000000e-01 : f32
    %mul3A_186 = vector.broadcast %mul3A_185 : f32 to vector<1x19xf32>
    %mul3A_187 = arith.mulf %mul3A_186, %add3A_184 : vector<1x19xf32>
    %mul3A_188 = arith.constant 4.000000e-01 : f32
    %mul3A_189 = vector.broadcast %mul3A_188 : f32 to vector<1x19xf32>
    %mul3A_190 = arith.mulf %mul3A_189, %dot_general3A_181 : vector<1x19xf32>
    %add3A_191 = arith.addf %mul3A_187, %mul3A_190 : vector<1x19xf32>
    %slice3A_192 = vector.extract_strided_slice %dot_general3A_29 {offsets = [10, 0], sizes = [1, 512], strides = [1, 1]} : vector<19x512xf32> to vector<1x512xf32>
    %add3A_193 = vector.broadcast %slice3A_192 : vector<1x512xf32> to vector<19x512xf32>
    %add3A_194 = arith.addf %add3A_193, %dot_general3A_31 : vector<19x512xf32>
    %abs3A_195 = math.absf %add3A_194 : vector<19x512xf32>
    %dot_general3A_196 = arith.constant dense<0.000000e+00> : vector<1x19xf32>
    %dot_general3A_197 = tpu.matmul %reshape3A, %abs3A_195, %dot_general3A_196 {dimension_numbers = #tpu.dot_dimension_numbers<[1], [1], [0], [0], [0, 0, 1, 0], [], []>, transpose_lhs_hint = false} : vector<1x512xf32>, vector<19x512xf32>, vector<1x19xf32> -> vector<1x19xf32>
    %slice3A_198 = vector.extract_strided_slice %dot_general3A_33 {offsets = [0, 10], sizes = [1, 1], strides = [1, 1]} : vector<1x19xf32> to vector<1x1xf32>
    %add3A_199 = vector.broadcast %slice3A_198 : vector<1x1xf32> to vector<1x19xf32>
    %add3A_200 = arith.addf %add3A_199, %dot_general3A_35 : vector<1x19xf32>
    %mul3A_201 = arith.constant 6.000000e-01 : f32
    %mul3A_202 = vector.broadcast %mul3A_201 : f32 to vector<1x19xf32>
    %mul3A_203 = arith.mulf %mul3A_202, %add3A_200 : vector<1x19xf32>
    %mul3A_204 = arith.constant 4.000000e-01 : f32
    %mul3A_205 = vector.broadcast %mul3A_204 : f32 to vector<1x19xf32>
    %mul3A_206 = arith.mulf %mul3A_205, %dot_general3A_197 : vector<1x19xf32>
    %add3A_207 = arith.addf %mul3A_203, %mul3A_206 : vector<1x19xf32>
    %slice3A_208 = vector.extract_strided_slice %dot_general3A_29 {offsets = [11, 0], sizes = [1, 512], strides = [1, 1]} : vector<19x512xf32> to vector<1x512xf32>
    %add3A_209 = vector.broadcast %slice3A_208 : vector<1x512xf32> to vector<19x512xf32>
    %add3A_210 = arith.addf %add3A_209, %dot_general3A_31 : vector<19x512xf32>
    %abs3A_211 = math.absf %add3A_210 : vector<19x512xf32>
    %dot_general3A_212 = arith.constant dense<0.000000e+00> : vector<1x19xf32>
    %dot_general3A_213 = tpu.matmul %reshape3A, %abs3A_211, %dot_general3A_212 {dimension_numbers = #tpu.dot_dimension_numbers<[1], [1], [0], [0], [0, 0, 1, 0], [], []>, transpose_lhs_hint = false} : vector<1x512xf32>, vector<19x512xf32>, vector<1x19xf32> -> vector<1x19xf32>
    %slice3A_214 = vector.extract_strided_slice %dot_general3A_33 {offsets = [0, 11], sizes = [1, 1], strides = [1, 1]} : vector<1x19xf32> to vector<1x1xf32>
    %add3A_215 = vector.broadcast %slice3A_214 : vector<1x1xf32> to vector<1x19xf32>
    %add3A_216 = arith.addf %add3A_215, %dot_general3A_35 : vector<1x19xf32>
    %mul3A_217 = arith.constant 6.000000e-01 : f32
    %mul3A_218 = vector.broadcast %mul3A_217 : f32 to vector<1x19xf32>
    %mul3A_219 = arith.mulf %mul3A_218, %add3A_216 : vector<1x19xf32>
    %mul3A_220 = arith.constant 4.000000e-01 : f32
    %mul3A_221 = vector.broadcast %mul3A_220 : f32 to vector<1x19xf32>
    %mul3A_222 = arith.mulf %mul3A_221, %dot_general3A_213 : vector<1x19xf32>
    %add3A_223 = arith.addf %mul3A_219, %mul3A_222 : vector<1x19xf32>
    %slice3A_224 = vector.extract_strided_slice %dot_general3A_29 {offsets = [12, 0], sizes = [1, 512], strides = [1, 1]} : vector<19x512xf32> to vector<1x512xf32>
    %add3A_225 = vector.broadcast %slice3A_224 : vector<1x512xf32> to vector<19x512xf32>
    %add3A_226 = arith.addf %add3A_225, %dot_general3A_31 : vector<19x512xf32>
    %abs3A_227 = math.absf %add3A_226 : vector<19x512xf32>
    %dot_general3A_228 = arith.constant dense<0.000000e+00> : vector<1x19xf32>
    %dot_general3A_229 = tpu.matmul %reshape3A, %abs3A_227, %dot_general3A_228 {dimension_numbers = #tpu.dot_dimension_numbers<[1], [1], [0], [0], [0, 0, 1, 0], [], []>, transpose_lhs_hint = false} : vector<1x512xf32>, vector<19x512xf32>, vector<1x19xf32> -> vector<1x19xf32>
    %slice3A_230 = vector.extract_strided_slice %dot_general3A_33 {offsets = [0, 12], sizes = [1, 1], strides = [1, 1]} : vector<1x19xf32> to vector<1x1xf32>
    %add3A_231 = vector.broadcast %slice3A_230 : vector<1x1xf32> to vector<1x19xf32>
    %add3A_232 = arith.addf %add3A_231, %dot_general3A_35 : vector<1x19xf32>
    %mul3A_233 = arith.constant 6.000000e-01 : f32
    %mul3A_234 = vector.broadcast %mul3A_233 : f32 to vector<1x19xf32>
    %mul3A_235 = arith.mulf %mul3A_234, %add3A_232 : vector<1x19xf32>
    %mul3A_236 = arith.constant 4.000000e-01 : f32
    %mul3A_237 = vector.broadcast %mul3A_236 : f32 to vector<1x19xf32>
    %mul3A_238 = arith.mulf %mul3A_237, %dot_general3A_229 : vector<1x19xf32>
    %add3A_239 = arith.addf %mul3A_235, %mul3A_238 : vector<1x19xf32>
    %slice3A_240 = vector.extract_strided_slice %dot_general3A_29 {offsets = [13, 0], sizes = [1, 512], strides = [1, 1]} : vector<19x512xf32> to vector<1x512xf32>
    %add3A_241 = vector.broadcast %slice3A_240 : vector<1x512xf32> to vector<19x512xf32>
    %add3A_242 = arith.addf %add3A_241, %dot_general3A_31 : vector<19x512xf32>
    %abs3A_243 = math.absf %add3A_242 : vector<19x512xf32>
    %dot_general3A_244 = arith.constant dense<0.000000e+00> : vector<1x19xf32>
    %dot_general3A_245 = tpu.matmul %reshape3A, %abs3A_243, %dot_general3A_244 {dimension_numbers = #tpu.dot_dimension_numbers<[1], [1], [0], [0], [0, 0, 1, 0], [], []>, transpose_lhs_hint = false} : vector<1x512xf32>, vector<19x512xf32>, vector<1x19xf32> -> vector<1x19xf32>
    %slice3A_246 = vector.extract_strided_slice %dot_general3A_33 {offsets = [0, 13], sizes = [1, 1], strides = [1, 1]} : vector<1x19xf32> to vector<1x1xf32>
    %add3A_247 = vector.broadcast %slice3A_246 : vector<1x1xf32> to vector<1x19xf32>
    %add3A_248 = arith.addf %add3A_247, %dot_general3A_35 : vector<1x19xf32>
    %mul3A_249 = arith.constant 6.000000e-01 : f32
    %mul3A_250 = vector.broadcast %mul3A_249 : f32 to vector<1x19xf32>
    %mul3A_251 = arith.mulf %mul3A_250, %add3A_248 : vector<1x19xf32>
    %mul3A_252 = arith.constant 4.000000e-01 : f32
    %mul3A_253 = vector.broadcast %mul3A_252 : f32 to vector<1x19xf32>
    %mul3A_254 = arith.mulf %mul3A_253, %dot_general3A_245 : vector<1x19xf32>
    %add3A_255 = arith.addf %mul3A_251, %mul3A_254 : vector<1x19xf32>
    %slice3A_256 = vector.extract_strided_slice %dot_general3A_29 {offsets = [14, 0], sizes = [1, 512], strides = [1, 1]} : vector<19x512xf32> to vector<1x512xf32>
    %add3A_257 = vector.broadcast %slice3A_256 : vector<1x512xf32> to vector<19x512xf32>
    %add3A_258 = arith.addf %add3A_257, %dot_general3A_31 : vector<19x512xf32>
    %abs3A_259 = math.absf %add3A_258 : vector<19x512xf32>
    %dot_general3A_260 = arith.constant dense<0.000000e+00> : vector<1x19xf32>
    %dot_general3A_261 = tpu.matmul %reshape3A, %abs3A_259, %dot_general3A_260 {dimension_numbers = #tpu.dot_dimension_numbers<[1], [1], [0], [0], [0, 0, 1, 0], [], []>, transpose_lhs_hint = false} : vector<1x512xf32>, vector<19x512xf32>, vector<1x19xf32> -> vector<1x19xf32>
    %slice3A_262 = vector.extract_strided_slice %dot_general3A_33 {offsets = [0, 14], sizes = [1, 1], strides = [1, 1]} : vector<1x19xf32> to vector<1x1xf32>
    %add3A_263 = vector.broadcast %slice3A_262 : vector<1x1xf32> to vector<1x19xf32>
    %add3A_264 = arith.addf %add3A_263, %dot_general3A_35 : vector<1x19xf32>
    %mul3A_265 = arith.constant 6.000000e-01 : f32
    %mul3A_266 = vector.broadcast %mul3A_265 : f32 to vector<1x19xf32>
    %mul3A_267 = arith.mulf %mul3A_266, %add3A_264 : vector<1x19xf32>
    %mul3A_268 = arith.constant 4.000000e-01 : f32
    %mul3A_269 = vector.broadcast %mul3A_268 : f32 to vector<1x19xf32>
    %mul3A_270 = arith.mulf %mul3A_269, %dot_general3A_261 : vector<1x19xf32>
    %add3A_271 = arith.addf %mul3A_267, %mul3A_270 : vector<1x19xf32>
    %slice3A_272 = vector.extract_strided_slice %dot_general3A_29 {offsets = [15, 0], sizes = [1, 512], strides = [1, 1]} : vector<19x512xf32> to vector<1x512xf32>
    %add3A_273 = vector.broadcast %slice3A_272 : vector<1x512xf32> to vector<19x512xf32>
    %add3A_274 = arith.addf %add3A_273, %dot_general3A_31 : vector<19x512xf32>
    %abs3A_275 = math.absf %add3A_274 : vector<19x512xf32>
    %dot_general3A_276 = arith.constant dense<0.000000e+00> : vector<1x19xf32>
    %dot_general3A_277 = tpu.matmul %reshape3A, %abs3A_275, %dot_general3A_276 {dimension_numbers = #tpu.dot_dimension_numbers<[1], [1], [0], [0], [0, 0, 1, 0], [], []>, transpose_lhs_hint = false} : vector<1x512xf32>, vector<19x512xf32>, vector<1x19xf32> -> vector<1x19xf32>
    %slice3A_278 = vector.extract_strided_slice %dot_general3A_33 {offsets = [0, 15], sizes = [1, 1], strides = [1, 1]} : vector<1x19xf32> to vector<1x1xf32>
    %add3A_279 = vector.broadcast %slice3A_278 : vector<1x1xf32> to vector<1x19xf32>
    %add3A_280 = arith.addf %add3A_279, %dot_general3A_35 : vector<1x19xf32>
    %mul3A_281 = arith.constant 6.000000e-01 : f32
    %mul3A_282 = vector.broadcast %mul3A_281 : f32 to vector<1x19xf32>
    %mul3A_283 = arith.mulf %mul3A_282, %add3A_280 : vector<1x19xf32>
    %mul3A_284 = arith.constant 4.000000e-01 : f32
    %mul3A_285 = vector.broadcast %mul3A_284 : f32 to vector<1x19xf32>
    %mul3A_286 = arith.mulf %mul3A_285, %dot_general3A_277 : vector<1x19xf32>
    %add3A_287 = arith.addf %mul3A_283, %mul3A_286 : vector<1x19xf32>
    %slice3A_288 = vector.extract_strided_slice %dot_general3A_29 {offsets = [16, 0], sizes = [1, 512], strides = [1, 1]} : vector<19x512xf32> to vector<1x512xf32>
    %add3A_289 = vector.broadcast %slice3A_288 : vector<1x512xf32> to vector<19x512xf32>
    %add3A_290 = arith.addf %add3A_289, %dot_general3A_31 : vector<19x512xf32>
    %abs3A_291 = math.absf %add3A_290 : vector<19x512xf32>
    %dot_general3A_292 = arith.constant dense<0.000000e+00> : vector<1x19xf32>
    %dot_general3A_293 = tpu.matmul %reshape3A, %abs3A_291, %dot_general3A_292 {dimension_numbers = #tpu.dot_dimension_numbers<[1], [1], [0], [0], [0, 0, 1, 0], [], []>, transpose_lhs_hint = false} : vector<1x512xf32>, vector<19x512xf32>, vector<1x19xf32> -> vector<1x19xf32>
    %slice3A_294 = vector.extract_strided_slice %dot_general3A_33 {offsets = [0, 16], sizes = [1, 1], strides = [1, 1]} : vector<1x19xf32> to vector<1x1xf32>
    %add3A_295 = vector.broadcast %slice3A_294 : vector<1x1xf32> to vector<1x19xf32>
    %add3A_296 = arith.addf %add3A_295, %dot_general3A_35 : vector<1x19xf32>
    %mul3A_297 = arith.constant 6.000000e-01 : f32
    %mul3A_298 = vector.broadcast %mul3A_297 : f32 to vector<1x19xf32>
    %mul3A_299 = arith.mulf %mul3A_298, %add3A_296 : vector<1x19xf32>
    %mul3A_300 = arith.constant 4.000000e-01 : f32
    %mul3A_301 = vector.broadcast %mul3A_300 : f32 to vector<1x19xf32>
    %mul3A_302 = arith.mulf %mul3A_301, %dot_general3A_293 : vector<1x19xf32>
    %add3A_303 = arith.addf %mul3A_299, %mul3A_302 : vector<1x19xf32>
    %slice3A_304 = vector.extract_strided_slice %dot_general3A_29 {offsets = [17, 0], sizes = [1, 512], strides = [1, 1]} : vector<19x512xf32> to vector<1x512xf32>
    %add3A_305 = vector.broadcast %slice3A_304 : vector<1x512xf32> to vector<19x512xf32>
    %add3A_306 = arith.addf %add3A_305, %dot_general3A_31 : vector<19x512xf32>
    %abs3A_307 = math.absf %add3A_306 : vector<19x512xf32>
    %dot_general3A_308 = arith.constant dense<0.000000e+00> : vector<1x19xf32>
    %dot_general3A_309 = tpu.matmul %reshape3A, %abs3A_307, %dot_general3A_308 {dimension_numbers = #tpu.dot_dimension_numbers<[1], [1], [0], [0], [0, 0, 1, 0], [], []>, transpose_lhs_hint = false} : vector<1x512xf32>, vector<19x512xf32>, vector<1x19xf32> -> vector<1x19xf32>
    %slice3A_310 = vector.extract_strided_slice %dot_general3A_33 {offsets = [0, 17], sizes = [1, 1], strides = [1, 1]} : vector<1x19xf32> to vector<1x1xf32>
    %add3A_311 = vector.broadcast %slice3A_310 : vector<1x1xf32> to vector<1x19xf32>
    %add3A_312 = arith.addf %add3A_311, %dot_general3A_35 : vector<1x19xf32>
    %mul3A_313 = arith.constant 6.000000e-01 : f32
    %mul3A_314 = vector.broadcast %mul3A_313 : f32 to vector<1x19xf32>
    %mul3A_315 = arith.mulf %mul3A_314, %add3A_312 : vector<1x19xf32>
    %mul3A_316 = arith.constant 4.000000e-01 : f32
    %mul3A_317 = vector.broadcast %mul3A_316 : f32 to vector<1x19xf32>
    %mul3A_318 = arith.mulf %mul3A_317, %dot_general3A_309 : vector<1x19xf32>
    %add3A_319 = arith.addf %mul3A_315, %mul3A_318 : vector<1x19xf32>
    %slice3A_320 = vector.extract_strided_slice %dot_general3A_29 {offsets = [18, 0], sizes = [1, 512], strides = [1, 1]} : vector<19x512xf32> to vector<1x512xf32>
    %add3A_321 = vector.broadcast %slice3A_320 : vector<1x512xf32> to vector<19x512xf32>
    %add3A_322 = arith.addf %add3A_321, %dot_general3A_31 : vector<19x512xf32>
    %abs3A_323 = math.absf %add3A_322 : vector<19x512xf32>
    %dot_general3A_324 = arith.constant dense<0.000000e+00> : vector<1x19xf32>
    %dot_general3A_325 = tpu.matmul %reshape3A, %abs3A_323, %dot_general3A_324 {dimension_numbers = #tpu.dot_dimension_numbers<[1], [1], [0], [0], [0, 0, 1, 0], [], []>, transpose_lhs_hint = false} : vector<1x512xf32>, vector<19x512xf32>, vector<1x19xf32> -> vector<1x19xf32>
    %slice3A_326 = vector.extract_strided_slice %dot_general3A_33 {offsets = [0, 18], sizes = [1, 1], strides = [1, 1]} : vector<1x19xf32> to vector<1x1xf32>
    %add3A_327 = vector.broadcast %slice3A_326 : vector<1x1xf32> to vector<1x19xf32>
    %add3A_328 = arith.addf %add3A_327, %dot_general3A_35 : vector<1x19xf32>
    %mul3A_329 = arith.constant 6.000000e-01 : f32
    %mul3A_330 = vector.broadcast %mul3A_329 : f32 to vector<1x19xf32>
    %mul3A_331 = arith.mulf %mul3A_330, %add3A_328 : vector<1x19xf32>
    %mul3A_332 = arith.constant 4.000000e-01 : f32
    %mul3A_333 = vector.broadcast %mul3A_332 : f32 to vector<1x19xf32>
    %mul3A_334 = arith.mulf %mul3A_333, %dot_general3A_325 : vector<1x19xf32>
    %add3A_335 = arith.addf %mul3A_331, %mul3A_334 : vector<1x19xf32>
    %concatenate3A = tpu.concatenate %add3A_47, %add3A_63, %add3A_79, %add3A_95, %add3A_111, %add3A_127, %add3A_143, %add3A_159, %add3A_175, %add3A_191, %add3A_207, %add3A_223, %add3A_239, %add3A_255, %add3A_271, %add3A_287, %add3A_303, %add3A_319, %add3A_335 in 0 : vector<1x19xf32>, vector<1x19xf32>, vector<1x19xf32>, vector<1x19xf32>, vector<1x19xf32>, vector<1x19xf32>, vector<1x19xf32>, vector<1x19xf32>, vector<1x19xf32>, vector<1x19xf32>, vector<1x19xf32>, vector<1x19xf32>, vector<1x19xf32>, vector<1x19xf32>, vector<1x19xf32>, vector<1x19xf32>, vector<1x19xf32>, vector<1x19xf32>, vector<1x19xf32> -> vector<19x19xf32>
    %jit3A = arith.constant -1.000000e+30 : f32
    %broadcast_in_dim3A = vector.broadcast %jit3A : f32 to vector<19x19xf32>
    %select_n3A = arith.select %gt3A_13, %concatenate3A, %broadcast_in_dim3A : vector<19x19xi1>, vector<19x19xf32>
    %reduce_max3A = arith.constant dense<0xFF800000> : vector<19xf32>
    %reduce_max3A_336 = vector.multi_reduction <maximumf>, %select_n3A, %reduce_max3A [0] : vector<19x19xf32> to vector<19xf32>
    %broadcast_in_dim3A_337 = vector.shape_cast %reduce_max3A_336 : vector<19xf32> to vector<1x19xf32>
    %sub3A = vector.broadcast %broadcast_in_dim3A_337 : vector<1x19xf32> to vector<19x19xf32>
    %sub3A_338 = arith.subf %concatenate3A, %sub3A : vector<19x19xf32>
    %exp3A = math.exp %sub3A_338 : vector<19x19xf32>
    %jit3A_339 = arith.constant 0.000000e+00 : f32
    %broadcast_in_dim3A_340 = vector.broadcast %jit3A_339 : f32 to vector<19x19xf32>
    %select_n3A_341 = arith.select %gt3A_13, %exp3A, %broadcast_in_dim3A_340 : vector<19x19xi1>, vector<19x19xf32>
    %mul3A_342 = arith.mulf %dot_general3A_11, %select_n3A_341 : vector<19x19xf32>
    %reduce_sum3A = arith.constant dense<0.000000e+00> : vector<19xf32>
    %reduce_sum3A_343 = vector.multi_reduction <add>, %mul3A_342, %reduce_sum3A [0] : vector<19x19xf32> to vector<19xf32>
    %broadcast_in_dim3A_344 = vector.shape_cast %reduce_sum3A_343 : vector<19xf32> to vector<1x19xf32>
    %add3A_345 = arith.constant 1.000000e-16 : f32
    %add3A_346 = vector.broadcast %add3A_345 : f32 to vector<1x19xf32>
    %add3A_347 = arith.addf %broadcast_in_dim3A_344, %add3A_346 : vector<1x19xf32>
    %div3A = vector.broadcast %add3A_347 : vector<1x19xf32> to vector<19x19xf32>
    %div3A_348 = arith.divf %select_n3A_341, %div3A : vector<19x19xf32>
    %mul3A_349 = arith.mulf %dot_general3A_11, %div3A_348 : vector<19x19xf32>
    %dot_general3A_350 = arith.constant dense<0.000000e+00> : vector<19x512xf32>
    %dot_general3A_351 = tpu.matmul %mul3A_349, %dot_general3A_29, %dot_general3A_350 {dimension_numbers = #tpu.dot_dimension_numbers<[0], [0], [1], [1], [0, 1, 1, 1], [], []>, transpose_lhs_hint = false} : vector<19x19xf32>, vector<19x512xf32>, vector<19x512xf32> -> vector<19x512xf32>
    %add3A_352 = vector.broadcast %reshape3A_27 : vector<1x512xf32> to vector<19x512xf32>
    %add3A_353 = arith.addf %dot_general3A_351, %add3A_352 : vector<19x512xf32>
    %swap3A = arith.constant 0 : index
    %swap3A_354 = arith.constant 0 : index
    %swap3A_355 = vector.load %arg14[%swap3A, %swap3A_354] : memref<19x19xf32, #tpu.memory_space<vmem>>, vector<19x19xf32>
    tpu.vector_store %arg14[%swap3A, %swap3A_354], %div3A_348 {strides = array<i32>} : memref<19x19xf32, #tpu.memory_space<vmem>>, vector<19x19xf32>,
    %get3A_356 = arith.constant 0 : index
    %get3A_357 = arith.constant 0 : index
    %get3A_358 = vector.load %arg7[%get3A_356, %get3A_357] : memref<512x512xf32, #tpu.memory_space<vmem>>, vector<512x512xf32>
    %get3A_359 = arith.constant 0 : index
    %get3A_360 = arith.constant 0 : index
    %get3A_361 = vector.load %arg8[%get3A_359, %get3A_360] : memref<512x512xf32, #tpu.memory_space<vmem>>, vector<512x512xf32>
    %get3A_362 = arith.constant 0 : index
    %get3A_363 = vector.load %arg9[%get3A_362] : memref<512xf32, #tpu.memory_space<vmem>>, vector<512xf32>
    %reshape3A_364 = vector.shape_cast %get3A_363 : vector<512xf32> to vector<1x512xf32>
    %get3A_365 = arith.constant 0 : index
    %get3A_366 = vector.load %arg10[%get3A_365] : memref<512xf32, #tpu.memory_space<vmem>>, vector<512xf32>
    %reshape3A_367 = vector.shape_cast %get3A_366 : vector<512xf32> to vector<1x512xf32>
    %dot_general3A_368 = arith.constant dense<0.000000e+00> : vector<19x512xf32>
    %dot_general3A_369 = tpu.matmul %add3A_353, %get3A_358, %dot_general3A_368 {dimension_numbers = #tpu.dot_dimension_numbers<[1], [0], [0], [1], [0, 0, 1, 1], [], []>, transpose_lhs_hint = false} : vector<19x512xf32>, vector<512x512xf32>, vector<19x512xf32> -> vector<19x512xf32>
    %dot_general3A_370 = arith.constant dense<0.000000e+00> : vector<19x512xf32>
    %dot_general3A_371 = tpu.matmul %add3A_353, %get3A_361, %dot_general3A_370 {dimension_numbers = #tpu.dot_dimension_numbers<[1], [0], [0], [1], [0, 0, 1, 1], [], []>, transpose_lhs_hint = false} : vector<19x512xf32>, vector<512x512xf32>, vector<19x512xf32> -> vector<19x512xf32>
    %dot_general3A_372 = arith.constant dense<0.000000e+00> : vector<1x19xf32>
    %dot_general3A_373 = tpu.matmul %reshape3A_364, %dot_general3A_369, %dot_general3A_372 {dimension_numbers = #tpu.dot_dimension_numbers<[1], [1], [0], [0], [0, 0, 1, 0], [], []>, transpose_lhs_hint = false} : vector<1x512xf32>, vector<19x512xf32>, vector<1x19xf32> -> vector<1x19xf32>
    %dot_general3A_374 = arith.constant dense<0.000000e+00> : vector<1x19xf32>
    %dot_general3A_375 = tpu.matmul %reshape3A_364, %dot_general3A_371, %dot_general3A_374 {dimension_numbers = #tpu.dot_dimension_numbers<[1], [1], [0], [0], [0, 0, 1, 0], [], []>, transpose_lhs_hint = false} : vector<1x512xf32>, vector<19x512xf32>, vector<1x19xf32> -> vector<1x19xf32>
    %slice3A_376 = vector.extract_strided_slice %dot_general3A_369 {offsets = [0, 0], sizes = [1, 512], strides = [1, 1]} : vector<19x512xf32> to vector<1x512xf32>
    %add3A_377 = vector.broadcast %slice3A_376 : vector<1x512xf32> to vector<19x512xf32>
    %add3A_378 = arith.addf %add3A_377, %dot_general3A_371 : vector<19x512xf32>
    %abs3A_379 = math.absf %add3A_378 : vector<19x512xf32>
    %dot_general3A_380 = arith.constant dense<0.000000e+00> : vector<1x19xf32>
    %dot_general3A_381 = tpu.matmul %reshape3A_364, %abs3A_379, %dot_general3A_380 {dimension_numbers = #tpu.dot_dimension_numbers<[1], [1], [0], [0], [0, 0, 1, 0], [], []>, transpose_lhs_hint = false} : vector<1x512xf32>, vector<19x512xf32>, vector<1x19xf32> -> vector<1x19xf32>
    %slice3A_382 = vector.extract_strided_slice %dot_general3A_373 {offsets = [0, 0], sizes = [1, 1], strides = [1, 1]} : vector<1x19xf32> to vector<1x1xf32>
    %add3A_383 = vector.broadcast %slice3A_382 : vector<1x1xf32> to vector<1x19xf32>
    %add3A_384 = arith.addf %add3A_383, %dot_general3A_375 : vector<1x19xf32>
    %mul3A_385 = arith.constant 6.000000e-01 : f32
    %mul3A_386 = vector.broadcast %mul3A_385 : f32 to vector<1x19xf32>
    %mul3A_387 = arith.mulf %mul3A_386, %add3A_384 : vector<1x19xf32>
    %mul3A_388 = arith.constant 4.000000e-01 : f32
    %mul3A_389 = vector.broadcast %mul3A_388 : f32 to vector<1x19xf32>
    %mul3A_390 = arith.mulf %mul3A_389, %dot_general3A_381 : vector<1x19xf32>
    %add3A_391 = arith.addf %mul3A_387, %mul3A_390 : vector<1x19xf32>
    %slice3A_392 = vector.extract_strided_slice %dot_general3A_369 {offsets = [1, 0], sizes = [1, 512], strides = [1, 1]} : vector<19x512xf32> to vector<1x512xf32>
    %add3A_393 = vector.broadcast %slice3A_392 : vector<1x512xf32> to vector<19x512xf32>
    %add3A_394 = arith.addf %add3A_393, %dot_general3A_371 : vector<19x512xf32>
    %abs3A_395 = math.absf %add3A_394 : vector<19x512xf32>
    %dot_general3A_396 = arith.constant dense<0.000000e+00> : vector<1x19xf32>
    %dot_general3A_397 = tpu.matmul %reshape3A_364, %abs3A_395, %dot_general3A_396 {dimension_numbers = #tpu.dot_dimension_numbers<[1], [1], [0], [0], [0, 0, 1, 0], [], []>, transpose_lhs_hint = false} : vector<1x512xf32>, vector<19x512xf32>, vector<1x19xf32> -> vector<1x19xf32>
    %slice3A_398 = vector.extract_strided_slice %dot_general3A_373 {offsets = [0, 1], sizes = [1, 1], strides = [1, 1]} : vector<1x19xf32> to vector<1x1xf32>
    %add3A_399 = vector.broadcast %slice3A_398 : vector<1x1xf32> to vector<1x19xf32>
    %add3A_400 = arith.addf %add3A_399, %dot_general3A_375 : vector<1x19xf32>
    %mul3A_401 = arith.constant 6.000000e-01 : f32
    %mul3A_402 = vector.broadcast %mul3A_401 : f32 to vector<1x19xf32>
    %mul3A_403 = arith.mulf %mul3A_402, %add3A_400 : vector<1x19xf32>
    %mul3A_404 = arith.constant 4.000000e-01 : f32
    %mul3A_405 = vector.broadcast %mul3A_404 : f32 to vector<1x19xf32>
    %mul3A_406 = arith.mulf %mul3A_405, %dot_general3A_397 : vector<1x19xf32>
    %add3A_407 = arith.addf %mul3A_403, %mul3A_406 : vector<1x19xf32>
    %slice3A_408 = vector.extract_strided_slice %dot_general3A_369 {offsets = [2, 0], sizes = [1, 512], strides = [1, 1]} : vector<19x512xf32> to vector<1x512xf32>
    %add3A_409 = vector.broadcast %slice3A_408 : vector<1x512xf32> to vector<19x512xf32>
    %add3A_410 = arith.addf %add3A_409, %dot_general3A_371 : vector<19x512xf32>
    %abs3A_411 = math.absf %add3A_410 : vector<19x512xf32>
    %dot_general3A_412 = arith.constant dense<0.000000e+00> : vector<1x19xf32>
    %dot_general3A_413 = tpu.matmul %reshape3A_364, %abs3A_411, %dot_general3A_412 {dimension_numbers = #tpu.dot_dimension_numbers<[1], [1], [0], [0], [0, 0, 1, 0], [], []>, transpose_lhs_hint = false} : vector<1x512xf32>, vector<19x512xf32>, vector<1x19xf32> -> vector<1x19xf32>
    %slice3A_414 = vector.extract_strided_slice %dot_general3A_373 {offsets = [0, 2], sizes = [1, 1], strides = [1, 1]} : vector<1x19xf32> to vector<1x1xf32>
    %add3A_415 = vector.broadcast %slice3A_414 : vector<1x1xf32> to vector<1x19xf32>
    %add3A_416 = arith.addf %add3A_415, %dot_general3A_375 : vector<1x19xf32>
    %mul3A_417 = arith.constant 6.000000e-01 : f32
    %mul3A_418 = vector.broadcast %mul3A_417 : f32 to vector<1x19xf32>
    %mul3A_419 = arith.mulf %mul3A_418, %add3A_416 : vector<1x19xf32>
    %mul3A_420 = arith.constant 4.000000e-01 : f32
    %mul3A_421 = vector.broadcast %mul3A_420 : f32 to vector<1x19xf32>
    %mul3A_422 = arith.mulf %mul3A_421, %dot_general3A_413 : vector<1x19xf32>
    %add3A_423 = arith.addf %mul3A_419, %mul3A_422 : vector<1x19xf32>
    %slice3A_424 = vector.extract_strided_slice %dot_general3A_369 {offsets = [3, 0], sizes = [1, 512], strides = [1, 1]} : vector<19x512xf32> to vector<1x512xf32>
    %add3A_425 = vector.broadcast %slice3A_424 : vector<1x512xf32> to vector<19x512xf32>
    %add3A_426 = arith.addf %add3A_425, %dot_general3A_371 : vector<19x512xf32>
    %abs3A_427 = math.absf %add3A_426 : vector<19x512xf32>
    %dot_general3A_428 = arith.constant dense<0.000000e+00> : vector<1x19xf32>
    %dot_general3A_429 = tpu.matmul %reshape3A_364, %abs3A_427, %dot_general3A_428 {dimension_numbers = #tpu.dot_dimension_numbers<[1], [1], [0], [0], [0, 0, 1, 0], [], []>, transpose_lhs_hint = false} : vector<1x512xf32>, vector<19x512xf32>, vector<1x19xf32> -> vector<1x19xf32>
    %slice3A_430 = vector.extract_strided_slice %dot_general3A_373 {offsets = [0, 3], sizes = [1, 1], strides = [1, 1]} : vector<1x19xf32> to vector<1x1xf32>
    %add3A_431 = vector.broadcast %slice3A_430 : vector<1x1xf32> to vector<1x19xf32>
    %add3A_432 = arith.addf %add3A_431, %dot_general3A_375 : vector<1x19xf32>
    %mul3A_433 = arith.constant 6.000000e-01 : f32
    %mul3A_434 = vector.broadcast %mul3A_433 : f32 to vector<1x19xf32>
    %mul3A_435 = arith.mulf %mul3A_434, %add3A_432 : vector<1x19xf32>
    %mul3A_436 = arith.constant 4.000000e-01 : f32
    %mul3A_437 = vector.broadcast %mul3A_436 : f32 to vector<1x19xf32>
    %mul3A_438 = arith.mulf %mul3A_437, %dot_general3A_429 : vector<1x19xf32>
    %add3A_439 = arith.addf %mul3A_435, %mul3A_438 : vector<1x19xf32>
    %slice3A_440 = vector.extract_strided_slice %dot_general3A_369 {offsets = [4, 0], sizes = [1, 512], strides = [1, 1]} : vector<19x512xf32> to vector<1x512xf32>
    %add3A_441 = vector.broadcast %slice3A_440 : vector<1x512xf32> to vector<19x512xf32>
    %add3A_442 = arith.addf %add3A_441, %dot_general3A_371 : vector<19x512xf32>
    %abs3A_443 = math.absf %add3A_442 : vector<19x512xf32>
    %dot_general3A_444 = arith.constant dense<0.000000e+00> : vector<1x19xf32>
    %dot_general3A_445 = tpu.matmul %reshape3A_364, %abs3A_443, %dot_general3A_444 {dimension_numbers = #tpu.dot_dimension_numbers<[1], [1], [0], [0], [0, 0, 1, 0], [], []>, transpose_lhs_hint = false} : vector<1x512xf32>, vector<19x512xf32>, vector<1x19xf32> -> vector<1x19xf32>
    %slice3A_446 = vector.extract_strided_slice %dot_general3A_373 {offsets = [0, 4], sizes = [1, 1], strides = [1, 1]} : vector<1x19xf32> to vector<1x1xf32>
    %add3A_447 = vector.broadcast %slice3A_446 : vector<1x1xf32> to vector<1x19xf32>
    %add3A_448 = arith.addf %add3A_447, %dot_general3A_375 : vector<1x19xf32>
    %mul3A_449 = arith.constant 6.000000e-01 : f32
    %mul3A_450 = vector.broadcast %mul3A_449 : f32 to vector<1x19xf32>
    %mul3A_451 = arith.mulf %mul3A_450, %add3A_448 : vector<1x19xf32>
    %mul3A_452 = arith.constant 4.000000e-01 : f32
    %mul3A_453 = vector.broadcast %mul3A_452 : f32 to vector<1x19xf32>
    %mul3A_454 = arith.mulf %mul3A_453, %dot_general3A_445 : vector<1x19xf32>
    %add3A_455 = arith.addf %mul3A_451, %mul3A_454 : vector<1x19xf32>
    %slice3A_456 = vector.extract_strided_slice %dot_general3A_369 {offsets = [5, 0], sizes = [1, 512], strides = [1, 1]} : vector<19x512xf32> to vector<1x512xf32>
    %add3A_457 = vector.broadcast %slice3A_456 : vector<1x512xf32> to vector<19x512xf32>
    %add3A_458 = arith.addf %add3A_457, %dot_general3A_371 : vector<19x512xf32>
    %abs3A_459 = math.absf %add3A_458 : vector<19x512xf32>
    %dot_general3A_460 = arith.constant dense<0.000000e+00> : vector<1x19xf32>
    %dot_general3A_461 = tpu.matmul %reshape3A_364, %abs3A_459, %dot_general3A_460 {dimension_numbers = #tpu.dot_dimension_numbers<[1], [1], [0], [0], [0, 0, 1, 0], [], []>, transpose_lhs_hint = false} : vector<1x512xf32>, vector<19x512xf32>, vector<1x19xf32> -> vector<1x19xf32>
    %slice3A_462 = vector.extract_strided_slice %dot_general3A_373 {offsets = [0, 5], sizes = [1, 1], strides = [1, 1]} : vector<1x19xf32> to vector<1x1xf32>
    %add3A_463 = vector.broadcast %slice3A_462 : vector<1x1xf32> to vector<1x19xf32>
    %add3A_464 = arith.addf %add3A_463, %dot_general3A_375 : vector<1x19xf32>
    %mul3A_465 = arith.constant 6.000000e-01 : f32
    %mul3A_466 = vector.broadcast %mul3A_465 : f32 to vector<1x19xf32>
    %mul3A_467 = arith.mulf %mul3A_466, %add3A_464 : vector<1x19xf32>
    %mul3A_468 = arith.constant 4.000000e-01 : f32
    %mul3A_469 = vector.broadcast %mul3A_468 : f32 to vector<1x19xf32>
    %mul3A_470 = arith.mulf %mul3A_469, %dot_general3A_461 : vector<1x19xf32>
    %add3A_471 = arith.addf %mul3A_467, %mul3A_470 : vector<1x19xf32>
    %slice3A_472 = vector.extract_strided_slice %dot_general3A_369 {offsets = [6, 0], sizes = [1, 512], strides = [1, 1]} : vector<19x512xf32> to vector<1x512xf32>
    %add3A_473 = vector.broadcast %slice3A_472 : vector<1x512xf32> to vector<19x512xf32>
    %add3A_474 = arith.addf %add3A_473, %dot_general3A_371 : vector<19x512xf32>
    %abs3A_475 = math.absf %add3A_474 : vector<19x512xf32>
    %dot_general3A_476 = arith.constant dense<0.000000e+00> : vector<1x19xf32>
    %dot_general3A_477 = tpu.matmul %reshape3A_364, %abs3A_475, %dot_general3A_476 {dimension_numbers = #tpu.dot_dimension_numbers<[1], [1], [0], [0], [0, 0, 1, 0], [], []>, transpose_lhs_hint = false} : vector<1x512xf32>, vector<19x512xf32>, vector<1x19xf32> -> vector<1x19xf32>
    %slice3A_478 = vector.extract_strided_slice %dot_general3A_373 {offsets = [0, 6], sizes = [1, 1], strides = [1, 1]} : vector<1x19xf32> to vector<1x1xf32>
    %add3A_479 = vector.broadcast %slice3A_478 : vector<1x1xf32> to vector<1x19xf32>
    %add3A_480 = arith.addf %add3A_479, %dot_general3A_375 : vector<1x19xf32>
    %mul3A_481 = arith.constant 6.000000e-01 : f32
    %mul3A_482 = vector.broadcast %mul3A_481 : f32 to vector<1x19xf32>
    %mul3A_483 = arith.mulf %mul3A_482, %add3A_480 : vector<1x19xf32>
    %mul3A_484 = arith.constant 4.000000e-01 : f32
    %mul3A_485 = vector.broadcast %mul3A_484 : f32 to vector<1x19xf32>
    %mul3A_486 = arith.mulf %mul3A_485, %dot_general3A_477 : vector<1x19xf32>
    %add3A_487 = arith.addf %mul3A_483, %mul3A_486 : vector<1x19xf32>
    %slice3A_488 = vector.extract_strided_slice %dot_general3A_369 {offsets = [7, 0], sizes = [1, 512], strides = [1, 1]} : vector<19x512xf32> to vector<1x512xf32>
    %add3A_489 = vector.broadcast %slice3A_488 : vector<1x512xf32> to vector<19x512xf32>
    %add3A_490 = arith.addf %add3A_489, %dot_general3A_371 : vector<19x512xf32>
    %abs3A_491 = math.absf %add3A_490 : vector<19x512xf32>
    %dot_general3A_492 = arith.constant dense<0.000000e+00> : vector<1x19xf32>
    %dot_general3A_493 = tpu.matmul %reshape3A_364, %abs3A_491, %dot_general3A_492 {dimension_numbers = #tpu.dot_dimension_numbers<[1], [1], [0], [0], [0, 0, 1, 0], [], []>, transpose_lhs_hint = false} : vector<1x512xf32>, vector<19x512xf32>, vector<1x19xf32> -> vector<1x19xf32>
    %slice3A_494 = vector.extract_strided_slice %dot_general3A_373 {offsets = [0, 7], sizes = [1, 1], strides = [1, 1]} : vector<1x19xf32> to vector<1x1xf32>
    %add3A_495 = vector.broadcast %slice3A_494 : vector<1x1xf32> to vector<1x19xf32>
    %add3A_496 = arith.addf %add3A_495, %dot_general3A_375 : vector<1x19xf32>
    %mul3A_497 = arith.constant 6.000000e-01 : f32
    %mul3A_498 = vector.broadcast %mul3A_497 : f32 to vector<1x19xf32>
    %mul3A_499 = arith.mulf %mul3A_498, %add3A_496 : vector<1x19xf32>
    %mul3A_500 = arith.constant 4.000000e-01 : f32
    %mul3A_501 = vector.broadcast %mul3A_500 : f32 to vector<1x19xf32>
    %mul3A_502 = arith.mulf %mul3A_501, %dot_general3A_493 : vector<1x19xf32>
    %add3A_503 = arith.addf %mul3A_499, %mul3A_502 : vector<1x19xf32>
    %slice3A_504 = vector.extract_strided_slice %dot_general3A_369 {offsets = [8, 0], sizes = [1, 512], strides = [1, 1]} : vector<19x512xf32> to vector<1x512xf32>
    %add3A_505 = vector.broadcast %slice3A_504 : vector<1x512xf32> to vector<19x512xf32>
    %add3A_506 = arith.addf %add3A_505, %dot_general3A_371 : vector<19x512xf32>
    %abs3A_507 = math.absf %add3A_506 : vector<19x512xf32>
    %dot_general3A_508 = arith.constant dense<0.000000e+00> : vector<1x19xf32>
    %dot_general3A_509 = tpu.matmul %reshape3A_364, %abs3A_507, %dot_general3A_508 {dimension_numbers = #tpu.dot_dimension_numbers<[1], [1], [0], [0], [0, 0, 1, 0], [], []>, transpose_lhs_hint = false} : vector<1x512xf32>, vector<19x512xf32>, vector<1x19xf32> -> vector<1x19xf32>
    %slice3A_510 = vector.extract_strided_slice %dot_general3A_373 {offsets = [0, 8], sizes = [1, 1], strides = [1, 1]} : vector<1x19xf32> to vector<1x1xf32>
    %add3A_511 = vector.broadcast %slice3A_510 : vector<1x1xf32> to vector<1x19xf32>
    %add3A_512 = arith.addf %add3A_511, %dot_general3A_375 : vector<1x19xf32>
    %mul3A_513 = arith.constant 6.000000e-01 : f32
    %mul3A_514 = vector.broadcast %mul3A_513 : f32 to vector<1x19xf32>
    %mul3A_515 = arith.mulf %mul3A_514, %add3A_512 : vector<1x19xf32>
    %mul3A_516 = arith.constant 4.000000e-01 : f32
    %mul3A_517 = vector.broadcast %mul3A_516 : f32 to vector<1x19xf32>
    %mul3A_518 = arith.mulf %mul3A_517, %dot_general3A_509 : vector<1x19xf32>
    %add3A_519 = arith.addf %mul3A_515, %mul3A_518 : vector<1x19xf32>
    %slice3A_520 = vector.extract_strided_slice %dot_general3A_369 {offsets = [9, 0], sizes = [1, 512], strides = [1, 1]} : vector<19x512xf32> to vector<1x512xf32>
    %add3A_521 = vector.broadcast %slice3A_520 : vector<1x512xf32> to vector<19x512xf32>
    %add3A_522 = arith.addf %add3A_521, %dot_general3A_371 : vector<19x512xf32>
    %abs3A_523 = math.absf %add3A_522 : vector<19x512xf32>
    %dot_general3A_524 = arith.constant dense<0.000000e+00> : vector<1x19xf32>
    %dot_general3A_525 = tpu.matmul %reshape3A_364, %abs3A_523, %dot_general3A_524 {dimension_numbers = #tpu.dot_dimension_numbers<[1], [1], [0], [0], [0, 0, 1, 0], [], []>, transpose_lhs_hint = false} : vector<1x512xf32>, vector<19x512xf32>, vector<1x19xf32> -> vector<1x19xf32>
    %slice3A_526 = vector.extract_strided_slice %dot_general3A_373 {offsets = [0, 9], sizes = [1, 1], strides = [1, 1]} : vector<1x19xf32> to vector<1x1xf32>
    %add3A_527 = vector.broadcast %slice3A_526 : vector<1x1xf32> to vector<1x19xf32>
    %add3A_528 = arith.addf %add3A_527, %dot_general3A_375 : vector<1x19xf32>
    %mul3A_529 = arith.constant 6.000000e-01 : f32
    %mul3A_530 = vector.broadcast %mul3A_529 : f32 to vector<1x19xf32>
    %mul3A_531 = arith.mulf %mul3A_530, %add3A_528 : vector<1x19xf32>
    %mul3A_532 = arith.constant 4.000000e-01 : f32
    %mul3A_533 = vector.broadcast %mul3A_532 : f32 to vector<1x19xf32>
    %mul3A_534 = arith.mulf %mul3A_533, %dot_general3A_525 : vector<1x19xf32>
    %add3A_535 = arith.addf %mul3A_531, %mul3A_534 : vector<1x19xf32>
    %slice3A_536 = vector.extract_strided_slice %dot_general3A_369 {offsets = [10, 0], sizes = [1, 512], strides = [1, 1]} : vector<19x512xf32> to vector<1x512xf32>
    %add3A_537 = vector.broadcast %slice3A_536 : vector<1x512xf32> to vector<19x512xf32>
    %add3A_538 = arith.addf %add3A_537, %dot_general3A_371 : vector<19x512xf32>
    %abs3A_539 = math.absf %add3A_538 : vector<19x512xf32>
    %dot_general3A_540 = arith.constant dense<0.000000e+00> : vector<1x19xf32>
    %dot_general3A_541 = tpu.matmul %reshape3A_364, %abs3A_539, %dot_general3A_540 {dimension_numbers = #tpu.dot_dimension_numbers<[1], [1], [0], [0], [0, 0, 1, 0], [], []>, transpose_lhs_hint = false} : vector<1x512xf32>, vector<19x512xf32>, vector<1x19xf32> -> vector<1x19xf32>
    %slice3A_542 = vector.extract_strided_slice %dot_general3A_373 {offsets = [0, 10], sizes = [1, 1], strides = [1, 1]} : vector<1x19xf32> to vector<1x1xf32>
    %add3A_543 = vector.broadcast %slice3A_542 : vector<1x1xf32> to vector<1x19xf32>
    %add3A_544 = arith.addf %add3A_543, %dot_general3A_375 : vector<1x19xf32>
    %mul3A_545 = arith.constant 6.000000e-01 : f32
    %mul3A_546 = vector.broadcast %mul3A_545 : f32 to vector<1x19xf32>
    %mul3A_547 = arith.mulf %mul3A_546, %add3A_544 : vector<1x19xf32>
    %mul3A_548 = arith.constant 4.000000e-01 : f32
    %mul3A_549 = vector.broadcast %mul3A_548 : f32 to vector<1x19xf32>
    %mul3A_550 = arith.mulf %mul3A_549, %dot_general3A_541 : vector<1x19xf32>
    %add3A_551 = arith.addf %mul3A_547, %mul3A_550 : vector<1x19xf32>
    %slice3A_552 = vector.extract_strided_slice %dot_general3A_369 {offsets = [11, 0], sizes = [1, 512], strides = [1, 1]} : vector<19x512xf32> to vector<1x512xf32>
    %add3A_553 = vector.broadcast %slice3A_552 : vector<1x512xf32> to vector<19x512xf32>
    %add3A_554 = arith.addf %add3A_553, %dot_general3A_371 : vector<19x512xf32>
    %abs3A_555 = math.absf %add3A_554 : vector<19x512xf32>
    %dot_general3A_556 = arith.constant dense<0.000000e+00> : vector<1x19xf32>
    %dot_general3A_557 = tpu.matmul %reshape3A_364, %abs3A_555, %dot_general3A_556 {dimension_numbers = #tpu.dot_dimension_numbers<[1], [1], [0], [0], [0, 0, 1, 0], [], []>, transpose_lhs_hint = false} : vector<1x512xf32>, vector<19x512xf32>, vector<1x19xf32> -> vector<1x19xf32>
    %slice3A_558 = vector.extract_strided_slice %dot_general3A_373 {offsets = [0, 11], sizes = [1, 1], strides = [1, 1]} : vector<1x19xf32> to vector<1x1xf32>
    %add3A_559 = vector.broadcast %slice3A_558 : vector<1x1xf32> to vector<1x19xf32>
    %add3A_560 = arith.addf %add3A_559, %dot_general3A_375 : vector<1x19xf32>
    %mul3A_561 = arith.constant 6.000000e-01 : f32
    %mul3A_562 = vector.broadcast %mul3A_561 : f32 to vector<1x19xf32>
    %mul3A_563 = arith.mulf %mul3A_562, %add3A_560 : vector<1x19xf32>
    %mul3A_564 = arith.constant 4.000000e-01 : f32
    %mul3A_565 = vector.broadcast %mul3A_564 : f32 to vector<1x19xf32>
    %mul3A_566 = arith.mulf %mul3A_565, %dot_general3A_557 : vector<1x19xf32>
    %add3A_567 = arith.addf %mul3A_563, %mul3A_566 : vector<1x19xf32>
    %slice3A_568 = vector.extract_strided_slice %dot_general3A_369 {offsets = [12, 0], sizes = [1, 512], strides = [1, 1]} : vector<19x512xf32> to vector<1x512xf32>
    %add3A_569 = vector.broadcast %slice3A_568 : vector<1x512xf32> to vector<19x512xf32>
    %add3A_570 = arith.addf %add3A_569, %dot_general3A_371 : vector<19x512xf32>
    %abs3A_571 = math.absf %add3A_570 : vector<19x512xf32>
    %dot_general3A_572 = arith.constant dense<0.000000e+00> : vector<1x19xf32>
    %dot_general3A_573 = tpu.matmul %reshape3A_364, %abs3A_571, %dot_general3A_572 {dimension_numbers = #tpu.dot_dimension_numbers<[1], [1], [0], [0], [0, 0, 1, 0], [], []>, transpose_lhs_hint = false} : vector<1x512xf32>, vector<19x512xf32>, vector<1x19xf32> -> vector<1x19xf32>
    %slice3A_574 = vector.extract_strided_slice %dot_general3A_373 {offsets = [0, 12], sizes = [1, 1], strides = [1, 1]} : vector<1x19xf32> to vector<1x1xf32>
    %add3A_575 = vector.broadcast %slice3A_574 : vector<1x1xf32> to vector<1x19xf32>
    %add3A_576 = arith.addf %add3A_575, %dot_general3A_375 : vector<1x19xf32>
    %mul3A_577 = arith.constant 6.000000e-01 : f32
    %mul3A_578 = vector.broadcast %mul3A_577 : f32 to vector<1x19xf32>
    %mul3A_579 = arith.mulf %mul3A_578, %add3A_576 : vector<1x19xf32>
    %mul3A_580 = arith.constant 4.000000e-01 : f32
    %mul3A_581 = vector.broadcast %mul3A_580 : f32 to vector<1x19xf32>
    %mul3A_582 = arith.mulf %mul3A_581, %dot_general3A_573 : vector<1x19xf32>
    %add3A_583 = arith.addf %mul3A_579, %mul3A_582 : vector<1x19xf32>
    %slice3A_584 = vector.extract_strided_slice %dot_general3A_369 {offsets = [13, 0], sizes = [1, 512], strides = [1, 1]} : vector<19x512xf32> to vector<1x512xf32>
    %add3A_585 = vector.broadcast %slice3A_584 : vector<1x512xf32> to vector<19x512xf32>
    %add3A_586 = arith.addf %add3A_585, %dot_general3A_371 : vector<19x512xf32>
    %abs3A_587 = math.absf %add3A_586 : vector<19x512xf32>
    %dot_general3A_588 = arith.constant dense<0.000000e+00> : vector<1x19xf32>
    %dot_general3A_589 = tpu.matmul %reshape3A_364, %abs3A_587, %dot_general3A_588 {dimension_numbers = #tpu.dot_dimension_numbers<[1], [1], [0], [0], [0, 0, 1, 0], [], []>, transpose_lhs_hint = false} : vector<1x512xf32>, vector<19x512xf32>, vector<1x19xf32> -> vector<1x19xf32>
    %slice3A_590 = vector.extract_strided_slice %dot_general3A_373 {offsets = [0, 13], sizes = [1, 1], strides = [1, 1]} : vector<1x19xf32> to vector<1x1xf32>
    %add3A_591 = vector.broadcast %slice3A_590 : vector<1x1xf32> to vector<1x19xf32>
    %add3A_592 = arith.addf %add3A_591, %dot_general3A_375 : vector<1x19xf32>
    %mul3A_593 = arith.constant 6.000000e-01 : f32
    %mul3A_594 = vector.broadcast %mul3A_593 : f32 to vector<1x19xf32>
    %mul3A_595 = arith.mulf %mul3A_594, %add3A_592 : vector<1x19xf32>
    %mul3A_596 = arith.constant 4.000000e-01 : f32
    %mul3A_597 = vector.broadcast %mul3A_596 : f32 to vector<1x19xf32>
    %mul3A_598 = arith.mulf %mul3A_597, %dot_general3A_589 : vector<1x19xf32>
    %add3A_599 = arith.addf %mul3A_595, %mul3A_598 : vector<1x19xf32>
    %slice3A_600 = vector.extract_strided_slice %dot_general3A_369 {offsets = [14, 0], sizes = [1, 512], strides = [1, 1]} : vector<19x512xf32> to vector<1x512xf32>
    %add3A_601 = vector.broadcast %slice3A_600 : vector<1x512xf32> to vector<19x512xf32>
    %add3A_602 = arith.addf %add3A_601, %dot_general3A_371 : vector<19x512xf32>
    %abs3A_603 = math.absf %add3A_602 : vector<19x512xf32>
    %dot_general3A_604 = arith.constant dense<0.000000e+00> : vector<1x19xf32>
    %dot_general3A_605 = tpu.matmul %reshape3A_364, %abs3A_603, %dot_general3A_604 {dimension_numbers = #tpu.dot_dimension_numbers<[1], [1], [0], [0], [0, 0, 1, 0], [], []>, transpose_lhs_hint = false} : vector<1x512xf32>, vector<19x512xf32>, vector<1x19xf32> -> vector<1x19xf32>
    %slice3A_606 = vector.extract_strided_slice %dot_general3A_373 {offsets = [0, 14], sizes = [1, 1], strides = [1, 1]} : vector<1x19xf32> to vector<1x1xf32>
    %add3A_607 = vector.broadcast %slice3A_606 : vector<1x1xf32> to vector<1x19xf32>
    %add3A_608 = arith.addf %add3A_607, %dot_general3A_375 : vector<1x19xf32>
    %mul3A_609 = arith.constant 6.000000e-01 : f32
    %mul3A_610 = vector.broadcast %mul3A_609 : f32 to vector<1x19xf32>
    %mul3A_611 = arith.mulf %mul3A_610, %add3A_608 : vector<1x19xf32>
    %mul3A_612 = arith.constant 4.000000e-01 : f32
    %mul3A_613 = vector.broadcast %mul3A_612 : f32 to vector<1x19xf32>
    %mul3A_614 = arith.mulf %mul3A_613, %dot_general3A_605 : vector<1x19xf32>
    %add3A_615 = arith.addf %mul3A_611, %mul3A_614 : vector<1x19xf32>
    %slice3A_616 = vector.extract_strided_slice %dot_general3A_369 {offsets = [15, 0], sizes = [1, 512], strides = [1, 1]} : vector<19x512xf32> to vector<1x512xf32>
    %add3A_617 = vector.broadcast %slice3A_616 : vector<1x512xf32> to vector<19x512xf32>
    %add3A_618 = arith.addf %add3A_617, %dot_general3A_371 : vector<19x512xf32>
    %abs3A_619 = math.absf %add3A_618 : vector<19x512xf32>
    %dot_general3A_620 = arith.constant dense<0.000000e+00> : vector<1x19xf32>
    %dot_general3A_621 = tpu.matmul %reshape3A_364, %abs3A_619, %dot_general3A_620 {dimension_numbers = #tpu.dot_dimension_numbers<[1], [1], [0], [0], [0, 0, 1, 0], [], []>, transpose_lhs_hint = false} : vector<1x512xf32>, vector<19x512xf32>, vector<1x19xf32> -> vector<1x19xf32>
    %slice3A_622 = vector.extract_strided_slice %dot_general3A_373 {offsets = [0, 15], sizes = [1, 1], strides = [1, 1]} : vector<1x19xf32> to vector<1x1xf32>
    %add3A_623 = vector.broadcast %slice3A_622 : vector<1x1xf32> to vector<1x19xf32>
    %add3A_624 = arith.addf %add3A_623, %dot_general3A_375 : vector<1x19xf32>
    %mul3A_625 = arith.constant 6.000000e-01 : f32
    %mul3A_626 = vector.broadcast %mul3A_625 : f32 to vector<1x19xf32>
    %mul3A_627 = arith.mulf %mul3A_626, %add3A_624 : vector<1x19xf32>
    %mul3A_628 = arith.constant 4.000000e-01 : f32
    %mul3A_629 = vector.broadcast %mul3A_628 : f32 to vector<1x19xf32>
    %mul3A_630 = arith.mulf %mul3A_629, %dot_general3A_621 : vector<1x19xf32>
    %add3A_631 = arith.addf %mul3A_627, %mul3A_630 : vector<1x19xf32>
    %slice3A_632 = vector.extract_strided_slice %dot_general3A_369 {offsets = [16, 0], sizes = [1, 512], strides = [1, 1]} : vector<19x512xf32> to vector<1x512xf32>
    %add3A_633 = vector.broadcast %slice3A_632 : vector<1x512xf32> to vector<19x512xf32>
    %add3A_634 = arith.addf %add3A_633, %dot_general3A_371 : vector<19x512xf32>
    %abs3A_635 = math.absf %add3A_634 : vector<19x512xf32>
    %dot_general3A_636 = arith.constant dense<0.000000e+00> : vector<1x19xf32>
    %dot_general3A_637 = tpu.matmul %reshape3A_364, %abs3A_635, %dot_general3A_636 {dimension_numbers = #tpu.dot_dimension_numbers<[1], [1], [0], [0], [0, 0, 1, 0], [], []>, transpose_lhs_hint = false} : vector<1x512xf32>, vector<19x512xf32>, vector<1x19xf32> -> vector<1x19xf32>
    %slice3A_638 = vector.extract_strided_slice %dot_general3A_373 {offsets = [0, 16], sizes = [1, 1], strides = [1, 1]} : vector<1x19xf32> to vector<1x1xf32>
    %add3A_639 = vector.broadcast %slice3A_638 : vector<1x1xf32> to vector<1x19xf32>
    %add3A_640 = arith.addf %add3A_639, %dot_general3A_375 : vector<1x19xf32>
    %mul3A_641 = arith.constant 6.000000e-01 : f32
    %mul3A_642 = vector.broadcast %mul3A_641 : f32 to vector<1x19xf32>
    %mul3A_643 = arith.mulf %mul3A_642, %add3A_640 : vector<1x19xf32>
    %mul3A_644 = arith.constant 4.000000e-01 : f32
    %mul3A_645 = vector.broadcast %mul3A_644 : f32 to vector<1x19xf32>
    %mul3A_646 = arith.mulf %mul3A_645, %dot_general3A_637 : vector<1x19xf32>
    %add3A_647 = arith.addf %mul3A_643, %mul3A_646 : vector<1x19xf32>
    %slice3A_648 = vector.extract_strided_slice %dot_general3A_369 {offsets = [17, 0], sizes = [1, 512], strides = [1, 1]} : vector<19x512xf32> to vector<1x512xf32>
    %add3A_649 = vector.broadcast %slice3A_648 : vector<1x512xf32> to vector<19x512xf32>
    %add3A_650 = arith.addf %add3A_649, %dot_general3A_371 : vector<19x512xf32>
    %abs3A_651 = math.absf %add3A_650 : vector<19x512xf32>
    %dot_general3A_652 = arith.constant dense<0.000000e+00> : vector<1x19xf32>
    %dot_general3A_653 = tpu.matmul %reshape3A_364, %abs3A_651, %dot_general3A_652 {dimension_numbers = #tpu.dot_dimension_numbers<[1], [1], [0], [0], [0, 0, 1, 0], [], []>, transpose_lhs_hint = false} : vector<1x512xf32>, vector<19x512xf32>, vector<1x19xf32> -> vector<1x19xf32>
    %slice3A_654 = vector.extract_strided_slice %dot_general3A_373 {offsets = [0, 17], sizes = [1, 1], strides = [1, 1]} : vector<1x19xf32> to vector<1x1xf32>
    %add3A_655 = vector.broadcast %slice3A_654 : vector<1x1xf32> to vector<1x19xf32>
    %add3A_656 = arith.addf %add3A_655, %dot_general3A_375 : vector<1x19xf32>
    %mul3A_657 = arith.constant 6.000000e-01 : f32
    %mul3A_658 = vector.broadcast %mul3A_657 : f32 to vector<1x19xf32>
    %mul3A_659 = arith.mulf %mul3A_658, %add3A_656 : vector<1x19xf32>
    %mul3A_660 = arith.constant 4.000000e-01 : f32
    %mul3A_661 = vector.broadcast %mul3A_660 : f32 to vector<1x19xf32>
    %mul3A_662 = arith.mulf %mul3A_661, %dot_general3A_653 : vector<1x19xf32>
    %add3A_663 = arith.addf %mul3A_659, %mul3A_662 : vector<1x19xf32>
    %slice3A_664 = vector.extract_strided_slice %dot_general3A_369 {offsets = [18, 0], sizes = [1, 512], strides = [1, 1]} : vector<19x512xf32> to vector<1x512xf32>
    %add3A_665 = vector.broadcast %slice3A_664 : vector<1x512xf32> to vector<19x512xf32>
    %add3A_666 = arith.addf %add3A_665, %dot_general3A_371 : vector<19x512xf32>
    %abs3A_667 = math.absf %add3A_666 : vector<19x512xf32>
    %dot_general3A_668 = arith.constant dense<0.000000e+00> : vector<1x19xf32>
    %dot_general3A_669 = tpu.matmul %reshape3A_364, %abs3A_667, %dot_general3A_668 {dimension_numbers = #tpu.dot_dimension_numbers<[1], [1], [0], [0], [0, 0, 1, 0], [], []>, transpose_lhs_hint = false} : vector<1x512xf32>, vector<19x512xf32>, vector<1x19xf32> -> vector<1x19xf32>
    %slice3A_670 = vector.extract_strided_slice %dot_general3A_373 {offsets = [0, 18], sizes = [1, 1], strides = [1, 1]} : vector<1x19xf32> to vector<1x1xf32>
    %add3A_671 = vector.broadcast %slice3A_670 : vector<1x1xf32> to vector<1x19xf32>
    %add3A_672 = arith.addf %add3A_671, %dot_general3A_375 : vector<1x19xf32>
    %mul3A_673 = arith.constant 6.000000e-01 : f32
    %mul3A_674 = vector.broadcast %mul3A_673 : f32 to vector<1x19xf32>
    %mul3A_675 = arith.mulf %mul3A_674, %add3A_672 : vector<1x19xf32>
    %mul3A_676 = arith.constant 4.000000e-01 : f32
    %mul3A_677 = vector.broadcast %mul3A_676 : f32 to vector<1x19xf32>
    %mul3A_678 = arith.mulf %mul3A_677, %dot_general3A_669 : vector<1x19xf32>
    %add3A_679 = arith.addf %mul3A_675, %mul3A_678 : vector<1x19xf32>
    %concatenate3A_680 = tpu.concatenate %add3A_391, %add3A_407, %add3A_423, %add3A_439, %add3A_455, %add3A_471, %add3A_487, %add3A_503, %add3A_519, %add3A_535, %add3A_551, %add3A_567, %add3A_583, %add3A_599, %add3A_615, %add3A_631, %add3A_647, %add3A_663, %add3A_679 in 0 : vector<1x19xf32>, vector<1x19xf32>, vector<1x19xf32>, vector<1x19xf32>, vector<1x19xf32>, vector<1x19xf32>, vector<1x19xf32>, vector<1x19xf32>, vector<1x19xf32>, vector<1x19xf32>, vector<1x19xf32>, vector<1x19xf32>, vector<1x19xf32>, vector<1x19xf32>, vector<1x19xf32>, vector<1x19xf32>, vector<1x19xf32>, vector<1x19xf32>, vector<1x19xf32> -> vector<19x19xf32>
    %jit3A_681 = arith.constant -1.000000e+30 : f32
    %broadcast_in_dim3A_682 = vector.broadcast %jit3A_681 : f32 to vector<19x19xf32>
    %select_n3A_683 = arith.select %gt3A_13, %concatenate3A_680, %broadcast_in_dim3A_682 : vector<19x19xi1>, vector<19x19xf32>
    %reduce_max3A_684 = arith.constant dense<0xFF800000> : vector<19xf32>
    %reduce_max3A_685 = vector.multi_reduction <maximumf>, %select_n3A_683, %reduce_max3A_684 [0] : vector<19x19xf32> to vector<19xf32>
    %broadcast_in_dim3A_686 = vector.shape_cast %reduce_max3A_685 : vector<19xf32> to vector<1x19xf32>
    %sub3A_687 = vector.broadcast %broadcast_in_dim3A_686 : vector<1x19xf32> to vector<19x19xf32>
    %sub3A_688 = arith.subf %concatenate3A_680, %sub3A_687 : vector<19x19xf32>
    %exp3A_689 = math.exp %sub3A_688 : vector<19x19xf32>
    %jit3A_690 = arith.constant 0.000000e+00 : f32
    %broadcast_in_dim3A_691 = vector.broadcast %jit3A_690 : f32 to vector<19x19xf32>
    %select_n3A_692 = arith.select %gt3A_13, %exp3A_689, %broadcast_in_dim3A_691 : vector<19x19xi1>, vector<19x19xf32>
    %mul3A_693 = arith.mulf %dot_general3A_11, %select_n3A_692 : vector<19x19xf32>
    %reduce_sum3A_694 = arith.constant dense<0.000000e+00> : vector<19xf32>
    %reduce_sum3A_695 = vector.multi_reduction <add>, %mul3A_693, %reduce_sum3A_694 [0] : vector<19x19xf32> to vector<19xf32>
    %broadcast_in_dim3A_696 = vector.shape_cast %reduce_sum3A_695 : vector<19xf32> to vector<1x19xf32>
    %add3A_697 = arith.constant 1.000000e-16 : f32
    %add3A_698 = vector.broadcast %add3A_697 : f32 to vector<1x19xf32>
    %add3A_699 = arith.addf %broadcast_in_dim3A_696, %add3A_698 : vector<1x19xf32>
    %div3A_700 = vector.broadcast %add3A_699 : vector<1x19xf32> to vector<19x19xf32>
    %div3A_701 = arith.divf %select_n3A_692, %div3A_700 : vector<19x19xf32>
    %mul3A_702 = arith.mulf %dot_general3A_11, %div3A_701 : vector<19x19xf32>
    %dot_general3A_703 = arith.constant dense<0.000000e+00> : vector<19x512xf32>
    %dot_general3A_704 = tpu.matmul %mul3A_702, %dot_general3A_369, %dot_general3A_703 {dimension_numbers = #tpu.dot_dimension_numbers<[0], [0], [1], [1], [0, 1, 1, 1], [], []>, transpose_lhs_hint = false} : vector<19x19xf32>, vector<19x512xf32>, vector<19x512xf32> -> vector<19x512xf32>
    %add3A_705 = vector.broadcast %reshape3A_367 : vector<1x512xf32> to vector<19x512xf32>
    %add3A_706 = arith.addf %dot_general3A_704, %add3A_705 : vector<19x512xf32>
    %get3A_707 = arith.constant 0 : index
    %get3A_708 = vector.load %arg2[%get3A_707] : memref<1xf32, #tpu.memory_space<vmem>>, vector<1xf32>
    %reshape3A_709 = vector.shape_cast %get3A_708 : vector<1xf32> to vector<1x1xf32>
    %get3A_710 = arith.constant 0 : index
    %get3A_711 = arith.constant 0 : index
    %get3A_712 = vector.load %arg11[%get3A_710, %get3A_711] : memref<1x512xf32, #tpu.memory_space<vmem>>, vector<1x512xf32>
    %mul3A_713 = vector.broadcast %reshape3A_709 : vector<1x1xf32> to vector<1x512xf32>
    %mul3A_714 = arith.mulf %mul3A_713, %get3A_712 : vector<1x512xf32>
    %add3A_715 = vector.broadcast %mul3A_714 : vector<1x512xf32> to vector<19x512xf32>
    %add3A_716 = arith.addf %add3A_706, %add3A_715 : vector<19x512xf32>
    %get3A_717 = arith.constant 0 : index
    %get3A_718 = vector.load %arg12[%get3A_717] : memref<512xf32, #tpu.memory_space<vmem>>, vector<512xf32>
    %reshape3A_719 = vector.shape_cast %get3A_718 : vector<512xf32> to vector<1x512xf32>
    %add3A_720 = vector.broadcast %reshape3A_719 : vector<1x512xf32> to vector<19x512xf32>
    %add3A_721 = arith.addf %add3A_716, %add3A_720 : vector<19x512xf32>
    %dot_general3A_722 = arith.constant dense<0.000000e+00> : vector<19x19xf32>
    %dot_general3A_723 = tpu.matmul %add3A_721, %add3A_721, %dot_general3A_722 {dimension_numbers = #tpu.dot_dimension_numbers<[1], [1], [0], [0], [0, 0, 1, 0], [], []>, transpose_lhs_hint = false} : vector<19x512xf32>, vector<19x512xf32>, vector<19x19xf32> -> vector<19x19xf32>
    %logistic3A = arith.negf %dot_general3A_723 : vector<19x19xf32>
    %logistic3A_724 = math.exp %logistic3A : vector<19x19xf32>
    %logistic3A_725 = arith.constant 1.000000e+00 : f32
    %logistic3A_726 = vector.broadcast %logistic3A_725 : f32 to vector<19x19xf32>
    %logistic3A_727 = arith.addf %logistic3A_726, %logistic3A_724 : vector<19x19xf32>
    %logistic3A_728 = arith.divf %logistic3A_726, %logistic3A_727 : vector<19x19xf32>
    %swap3A_729 = arith.constant 0 : index
    %swap3A_730 = arith.constant 0 : index
    %swap3A_731 = vector.load %arg13[%swap3A_729, %swap3A_730] : memref<19x19xf32, #tpu.memory_space<vmem>>, vector<19x19xf32>
    tpu.vector_store %arg13[%swap3A_729, %swap3A_730], %logistic3A_728 {strides = array<i32>} : memref<19x19xf32, #tpu.memory_space<vmem>>, vector<19x19xf32>,
    return
  }
}

</mosaic_0001>

<sc_bundles>
// kernel: kernel.4.cloned.1.call-start
scs
__scs_entry_jumppad:
0x0: {  	(pc) =	sbr.rel $0x88, $3  }
0x1: {  	(tag) =	ssettag $0x0;
	lr =	simm.s32 $0x1  }
0x2: {  	[smem:$0x3F94] =	sst lr;
	_ =	strace $0xD0000000  }
0x3: {  	_ = 	snop  }
0x4: {  	_ = 	snop  }
0x5: {  	_ = 	snop  }
0x6: {  	_ = 	snop  }
0x7: {  	_ = 	snop  }
__scs_overlays_trampoline_lowered:
0x8: {  	[smem:$0x3FA3] =	sst s0  }
0x9: {  	[smem:$0x3FA4] =	sst s1  }
0xa: {  	[smem:$0x3FA5] =	sst s2  }
0xb: {  	[smem:$0x3FA6] =	sst s3  }
0xc: {  	[smem:$0x3FA7] =	sst s4  }
0xd: {  	[smem:$0x3FA8] =	sst s5  }
0xe: {  	[smem:$0x3FA9] =	sst s6  }
0xf: {  	[smem:$0x3FAA] =	sst s7  }
0x10: {  	[smem:$0x3FAB] =	sst s8  }
0x11: {  	[smem:$0x3FAC] =	sst s9;
	s0 =	simm.s32 @!p0 $0x0  }
0x12: {  	s1 =	sld [smem:$0x3F92];
	s0 =	simm.s32 @p0 $0x1  }
0x13: {  	[smem:$0x3FAD] =	sst s0;
	s0 =	simm.s32 @!p1 $0x0  }
0x14: {  	s2 =	sld [smem:$0x3F91];
	s0 =	simm.s32 @p1 $0x1  }
0x15: {  	[smem:$0x3FAE] =	sst s0;
	s0 =	simm.s32 @!p2 $0x0  }
0x16: {  	s3 =	sld [smem:$0x3FDB];
	s0 =	simm.s32 @p2 $0x1  }
0x17: {  	s4 =	simm.s32 $0x1BF5;
	[smem:$0x3FB0] =	sst s0  }
0x18: {  	s0 =	sld [smem:$0x3F93];
	_ =	swait.ge [sflag:s4], $0x0  }
0x19: {  	s7 =	sld [smem:$0x3F94]  }
0x1a: {  	s8 =	sadd.s32 $0xFFFFE003, lr  }
0x1b: {  	s9 =	sadd.s32 $0xFFFFFEF7, lr;
	s5 =	simm.s32 $0xFFFFFFFF;
	p2 =	slt.u32 s8, $0xFFFFF086  }
0x1c: {  	p1 =	slt.u32 s9, $0xF7A;
	s5 =	simm.s32 @!p2 $0x0  }
0x1d: {  	s5 =	simm.s32 @p1 $0x1;
	p0 =	seq.s32 s7, s2  }
0x1e: {  	s7 =	smul.u32 @!p0 $0xF7A, s2;
	p2 =	seq.s32 @!p0 s5, $0x0  }
0x1f: {  	s9 =	smul.u32 $0xF7A, s1;
	s8 =	simm.s32 @!p0 $0x1BF5;
	p2 =	por !p2, p0  }
0x20: {  	[sflag:s8] =	ssyncset.s32 @!p0 $0xFFFFF086;
	s6 =	sadd.s32 @!p0 s3, s7;
	s7 =	simm.s32 @!p0 $0x108  }
0x21: {  	s3 =	sadd.s32 s3, s9;
	s6 =	sadd.s32 @!p0 $0x88, s6;
	s7 =	simm.s32 @p2 $0x1082  }
0x22: {  	[simem:s7], [sflag:s8] =	dma.local @!p0 [hbm:s6], $0xF7A  }
0x23: {  	s9 =	sor.u32 $0xD0000000, s2;
	s6 =	simm.s32 $0x108;
	_ =	swait.ge @!p0 [sflag:s8], $0x0  }
0x24: {  	s3 =	sadd.s32 $0x88, s3;
	s6 =	simm.s32 @!p1 $0x1082;
	[sflag:s4] =	ssyncset.s32 $0xFFFFF086  }
0x25: {  	[simem:s6], [sflag:s4] =	dma.local [hbm:s3], $0xF7A  }
0x26: {  	[smem:$0x3F94] =	sst s1;
	(tag) =	ssettag s2;
	_ =	strace s9  }
0x27: {  	s1 =	sld [smem:$0x3FA4]  }
0x28: {  	s2 =	sld [smem:$0x3FA5]  }
0x29: {  	s4 =	sld [smem:$0x3FA7]  }
0x2a: {  	p0 =	seq.s32 s5, $0x0;
	s5 =	sld [smem:$0x3FA8]  }
0x2b: {  	s6 =	sld [smem:$0x3FA9]  }
0x2c: {  	s7 =	sld [smem:$0x3FAA]  }
0x2d: {  	s3 =	simm.s32 $0x108;
	s8 =	sld [smem:$0x3FAB]  }
0x2e: {  	s3 =	simm.s32 @!p0 $0x1082;
	s9 =	sld [smem:$0x3FAC]  }
0x2f: {  	lr =	sadd.s32 s0, s3;
	s0 =	sld [smem:$0x3FA3]  }
0x30: {  	s3 =	sld [smem:$0x3FA6]  }
0x31: {  	[smem:$0x3FAF] =	sst s10  }
0x32: {  	s10 =	sld [smem:$0x3FAD];
	_ =	sdelay $0x3  }
0x33: {  	p0 =	seq.s32 s10, $0x1;
	s10 =	sld [smem:$0x3FAF];
	_ =	sdelay $0x3  }
0x34: {  	[smem:$0x3FAF] =	sst s10  }
0x35: {  	s10 =	sld [smem:$0x3FAE];
	_ =	sdelay $0x3  }
0x36: {  	p1 =	seq.s32 s10, $0x1;
	s10 =	sld [smem:$0x3FAF];
	_ =	sdelay $0x3  }
0x37: {  	[smem:$0x3FAF] =	sst s10  }
0x38: {  	s10 =	sld [smem:$0x3FB0]  }
0x39: {  	_ = 	snop;
	(pc) =	sbr.ind lr, $3  }
0x3a: {  	_ = 	snop  }
0x3b: {  	_ = 	snop  }
0x3c: {  	p2 =	seq.s32 s10, $0x1;
	s10 =	sld [smem:$0x3FAF]  }
0x3d: {  	_ =	shalt  }
0x3e: {  	_ =	shalt  }
0x3f: {  	_ =	shalt  }
0x40: {  	_ =	shalt  }
0x41: {  	_ =	shalt  }
0x42: {  	_ =	shalt  }
0x43: {  	_ =	shalt  }
0x44: {  	_ =	shalt  }
0x45: {  	_ =	shalt  }
0x46: {  	_ =	shalt  }
0x47: {  	_ =	shalt  }
0x48: {  	_ =	shalt  }
0x49: {  	_ =	shalt  }
0x4a: {  	_ =	shalt  }
0x4b: {  	_ =	shalt  }
0x4c: {  	_ =	shalt  }
0x4d: {  	_ =	shalt  }
0x4e: {  	_ =	shalt  }
0x4f: {  	_ =	shalt  }
0x50: {  	_ =	shalt  }
0x51: {  	_ =	shalt  }
0x52: {  	_ =	shalt  }
0x53: {  	_ =	shalt  }
0x54: {  	_ =	shalt  }
0x55: {  	_ =	shalt  }
0x56: {  	_ =	shalt  }
0x57: {  	_ =	shalt  }
0x58: {  	_ =	shalt  }
0x59: {  	_ =	shalt  }
0x5a: {  	_ =	shalt  }
0x5b: {  	_ =	shalt  }
0x5c: {  	_ =	shalt  }
0x5d: {  	_ =	shalt  }
0x5e: {  	_ =	shalt  }
0x5f: {  	_ =	shalt  }
0x60: {  	_ =	shalt  }
0x61: {  	_ =	shalt  }
0x62: {  	_ =	shalt  }
0x63: {  	_ =	shalt  }
0x64: {  	_ =	shalt  }
0x65: {  	_ =	shalt  }
0x66: {  	_ =	shalt  }
0x67: {  	_ =	shalt  }
0x68: {  	_ =	shalt  }
0x69: {  	_ =	shalt  }
0x6a: {  	_ =	shalt  }
0x6b: {  	_ =	shalt  }
0x6c: {  	_ =	shalt  }
0x6d: {  	_ =	shalt  }
0x6e: {  	_ =	shalt  }
0x6f: {  	_ =	shalt  }
0x70: {  	_ =	shalt  }
0x71: {  	_ =	shalt  }
0x72: {  	_ =	shalt  }
0x73: {  	_ =	shalt  }
0x74: {  	_ =	shalt  }
0x75: {  	_ =	shalt  }
0x76: {  	_ =	shalt  }
0x77: {  	_ =	shalt  }
0x78: {  	_ =	shalt  }
0x79: {  	_ =	shalt  }
0x7a: {  	_ =	shalt  }
0x7b: {  	_ =	shalt  }
0x7c: {  	_ =	shalt  }
0x7d: {  	_ =	shalt  }
0x7e: {  	_ =	shalt  }
0x7f: {  	_ =	shalt  }
0x80: {  	_ =	shalt  }
0x81: {  	_ =	shalt  }
0x82: {  	_ =	shalt  }
0x83: {  	_ =	shalt  }
0x84: {  	_ =	shalt  }
0x85: {  	_ =	shalt  }
0x86: {  	_ =	shalt  }
0x87: {  	_ =	shalt  }
.Lfunc_end0:
.L_simem_size_0:
called_computation_lowered:
.L_overlay_start_0:
0x88: {  	s2 =	sld [smem:$0x3FD9]  }
0x89: {  	s3 =	sld [smem:$0x3FFE];
	_ =	sdelay $0x1  }
0x8a: {  	s1 =	srdreg.scid  }
0x8b: {  	s0 =	sand.u32 $0x1, s1  }
0x8c: {  	s14 =	sshll.u32 s0, $0xA;
	s2 =	sadd.s32 s3, s2  }
0x8d: {  	s2 =	sadd.s32 s2, s14  }
0x8e: {  	[smem:$0x3FBB] =	sst s2  }
0x8f: {  	_ = 	snop  }
0x90: {  	s2 =	sld [smem:$0x3FD0];
	_ =	sdelay $0x2  }
0x91: {  	s4 =	simm.s32 $0xA;
	s5 =	simm.s32 $0x10;
	s15 =	sld [smem:$0x3FC8]  }
0x92: {  	[smem:s5], [sflag:s4] =	dma.local [hbm:s2], $0x1  }
0x93: {  	_ =	swait.eq [sflag:s4], $0x1  }
0x94: {  	[sflag:s4] =	ssyncset.done $0x0  }
0x95: {  	[sflag:s4] =	ssyncadd.s32 $0xFFFFFFFF  }
0x96: {  	s16 =	sld [smem:$0x11];
	(tm) =	ssettm $0x1  }
0x97: {  	s17 =	sld [smem:$0x3FFB];
	_ =	sdelay $0x3  }
0x98: {  	_ =	strace s17  }
0x99: {  	s4 =	sld [smem:$0x3FFC];
	_ =	sdelay $0x3  }
0x9a: {  	_ =	strace s4  }
0x9b: {  	s4 =	sld [smem:$0x3FFD];
	_ =	sdelay $0x3  }
0x9c: {  	_ =	strace s4  }
0x9d: {  	_ =	strace $0x8FFFFFFF  }
0x9e: {  	s18 =	sld [smem:$0x3FDB];
	_ =	sdelay $0x1  }
0x9f: {  	s19 =	simm.s32 $_scs_section_size  }
0xa0: {  	s6 =	simm.s32 $_size__tile_overlayer_lowered;
	s7 =	simm.s32 $_tile_overlayer_lowered  }
0xa1: {  	s22 =	simm.s32 $0x1BFF;
	s21 =	sshll.u32 s7, $0x1;
	s4 =	sadd.s32 s19, s18  }
0xa2: {  	s8 =	simm.s32 $0x0;
	s20 =	sshll.u32 s6, $0x1;
	s6 =	sadd.s32 s21, s4  }
0xa3: {  	[timem:s8], [sflag:s22] =	dma.local [hbm:s6], s20  }
0xa4: {  	_ =	swait.ge [sflag:s22], s20  }
0xa5: {  	s5 =	ssub.s32 $0x0, s20;
	[sflag:s22] =	ssyncset.done $0x0  }
0xa6: {  	[sflag:s22] =	ssyncadd.s32 s5;
	_ =	sdelay $0x1  }
0xa7: {  	s23 =	simm.s32 $0x1B8B  }
0xa8: {  	_ =	swait.ge [sflag:s23], $0x1  }
0xa9: {  	[sflag:s23] =	ssyncset.done $0x0  }
0xaa: {  	s25 =	simm.s32 $0x1B8E;
	s24 =	sld [smem:$0x3FFE];
	[sflag:s23] =	ssyncadd.s32 $0xFFFFFFFF  }
0xab: {  	s26 =	simm.s32 $execute0_lowered;
	[smem:$0x3FD2] =	sst s25  }
0xac: {  	s6 =	sshll.u32 s26, $0x1;
	_ =	strace $0x80000046;
	[dreg:$0x1] =	wrdreg $0xFFFFFFFF  }
0xad: {  	s28 =	simm.s32 $_size_execute0_lowered;
	s4 =	sadd.s32 s4, s6;
	[dreg:$0x0] =	wrdreg $0x0  }
0xae: {  	s6 =	sshll.u32 s28, $0x1;
	[dreg:$0x2] =	wrdreg s4  }
0xaf: {  	[dreg:$0x3] =	wrdreg s6  }
0xb0: {  	[dreg:$0x4] =	wrdreg $0xC0  }
0xb1: {  	_ =	task [dreg:s8], $0x5FFFF  }
0xb2: {  	[dreg:$0x1] =	wrdreg $0xFFFFFFFF  }
0xb3: {  	[dreg:$0x0] =	wrdreg $0x60  }
0xb4: {  	[dreg:$0x2] =	wrdreg s24  }
0xb5: {  	[dreg:$0x3] =	wrdreg s15  }
0xb6: {  	[dreg:$0x4] =	wrdreg s16  }
0xb7: {  	[dreg:$0x5] =	wrdreg $0x9  }
0xb8: {  	_ =	task.clear_ibuf [dreg:s8], $0x6FFFF;
	_ =	strace $0x90000046  }
0xb9: {  	s29 =	simm.s32 $0x9;
	_ =	strace $0x80000048  }
0xba: {  	_ =	swait.ge [sflag:s29], $0x1  }
0xbb: {  	[sflag:s29] =	ssyncadd.s32 $0xFFFFFFFF  }
0xbc: {  	_ =	strace $0x90000048  }
0xbd: {  	_ =	sfence  }
0xbe: {  	s30 =	sld [smem:$0x0];
	_ =	sdelay $0x2  }
0xbf: {  	s31 =	sshll.u32 s1, $0xD;
	s1 =	sshrl.u32 s1, $0x2  }
0xc0: {  	s3 =	sand.u32 $0x4000, s31;
	s1 =	sadd.s32 s1, s30  }
0xc1: {  	s0 =	sor.u32 s3, s0;
	s1 =	sshll.u32 s1, $0x11  }
0xc2: {  	s0 =	sor.u32 s1, s0  }
0xc3: {  	s0 =	sadd.s32 $0x8F2B, s0  }
0xc4: {  	[sflag:s0] =	ssyncadd.remote.s32 $0x1  }
0xc5: {  	_ =	sfence.sel $0xFFFF  }
0xc6: {  	[dreg:$0x0] =	wrdreg $0xFFFFFFFF;
	(pc) =	sbr.abs _section_cstart, $3  }
0xc7: {  	[dreg:$0x1] =	wrdreg $0xFFFFFFFF  }
0xc8: {  	_ =	task.clear_ibuf [dreg:s8], $0x2FFFF;
	_ =	strace $0x9FFFFFFF  }
0xc9: {  	(tm) =	ssettm $0x7FFFFFFF  }
tec
execute0_lowered:
.L_overlay_start_1:
0x0: {  	(tag) =	ssettag $0x1  }
0x1: {  	s0 =	srdreg.scid  }
0x2: {  	s9 =	sand.u32 $0x1, s0;
	s0 =	stileid.u32  }
0x3: {  	s4 =	sshll.u32 s0, $0x1;
	s6 =	ssub.s32 $0x0, s9  }
0x4: {  	p0 =	sne.s32 s4, s6  }
.Ltmp0:
0x5: {  	_ = 	snop;
	(pc) =	sbr.rel @p0 .LBB2_4-.Ltmp0, $4  }
0x6: {  	s3 =	rddreg [dreg:$0x0]  }
0x7: {  	s5 =	rddreg [dreg:$0x1]  }
0x8: {  	s2 =	rddreg [dreg:$0x2]  }
0x9: {  	s1 =	rddreg [dreg:$0x3];
	_ =	strace $0x80000047  }
0xa: {  	s6 =	sadd.s32 $0x2000, s3;
	s4 =	simm.s32 $0x0;
	s3 =	simm.s32 $0x1  }
0xb: {  	[tilespmem:s4], [sflag:$0x1] =	stream.linear.gather [hbm4b:s6+s4], $0x980, $0x38;
	[tilespmem:$0x1200] =	vst v63  }
0xc: {  	_ =	swait.ge [sflag:s3], $0x980  }
0xd: {  	[sflag:s3] =	ssyncset.done $0x0  }
0xe: {  	s7 =	simm.s32 $0xD80;
	[sflag:s3] =	ssyncadd.s32 $0xFFFFF680  }
0xf: {  	[tilespmem:s7], [sflag:$0x1] =	stream.linear.gather [hbm4b:s5+s4], $0x300, $0x38;
	[tilespmem:$0x1200] =	vst v63  }
0x10: {  	_ =	swait.ge [sflag:s3], $0x300  }
0x11: {  	[sflag:s3] =	ssyncset.done $0x0  }
0x12: {  	[sflag:s3] =	ssyncadd.s32 $0xFFFFFD00  }
0x13: {  	v0 =	vld [tilespmem:$0x303]  }
0x14: {  	v1 =	vld [tilespmem:$0x700]  }
0x15: {  	v2 =	vld [tilespmem:$0x580]  }
0x16: {  	v3 =	vld [tilespmem:$0x600]  }
0x17: {  	v4 =	vld [tilespmem:$0x400]  }
0x18: {  	v5 =	vld [tilespmem:$0x480]  }
0x19: {  	v7 =	vld [tilespmem:$0x300]  }
0x1a: {  	v6 =	vld [tilespmem:$0x403]  }
0x1b: {  	v8 =	vld [tilespmem:$0x683];
	[tilespmem:$0xCE4] =	vst v3  }
0x1c: {  	v3 =	vld [tilespmem:$0x103];
	[tilespmem:$0xC98] =	vst v4  }
0x1d: {  	v4 =	vld [tilespmem:$0x280];
	[tilespmem:$0xCAB] =	vst v5  }
0x1e: {  	v5 =	vld [tilespmem:$0x180];
	[tilespmem:$0xC72] =	vst v7  }
0x1f: {  	v7 =	vld [tilespmem:$0x283];
	[tilespmem:$0xCD1] =	vst v2  }
0x20: {  	v2 =	vld [tilespmem:$0x0];
	[tilespmem:$0xD0A] =	vst v1  }
0x21: {  	v1 =	vld [tilespmem:$0x703];
	[tilespmem:$0xC9B] =	vst v6  }
0x22: {  	v6 =	vld [tilespmem:$0x583];
	[tilespmem:$0xC75] =	vst v0  }
0x23: {  	v0 =	vld [tilespmem:$0x183];
	[tilespmem:$0xC5F] =	vst v4  }
0x24: {  	v4 =	vld [tilespmem:$0x100];
	[tilespmem:$0xC39] =	vst v5  }
0x25: {  	v5 =	vld [tilespmem:$0x80];
	[tilespmem:$0xC00] =	vst v2  }
0x26: {  	v2 =	vld [tilespmem:$0x3];
	[tilespmem:$0xD0D] =	vst v1  }
0x27: {  	[tilespmem:$0xCD4] =	vst v6;
	v6 =	vld [tilespmem:$0x200]  }
0x28: {  	[tilespmem:$0xC62] =	vst v7;
	v7 =	vld [tilespmem:$0x483]  }
0x29: {  	[tilespmem:$0xC3C] =	vst v0;
	v0 =	vld [tilespmem:$0x203]  }
0x2a: {  	[tilespmem:$0xC26] =	vst v4;
	v4 =	vld [tilespmem:$0x83]  }
0x2b: {  	[tilespmem:$0xC13] =	vst v5;
	v5 =	vld [tilespmem:$0xE00]  }
0x2c: {  	[tilespmem:$0xC03] =	vst v2;
	v2 =	vld [tilespmem:$0x900]  }
0x2d: {  	[tilespmem:$0xC4C] =	vst v6;
	v6 =	vld [tilespmem:$0x380]  }
0x2e: {  	[tilespmem:$0xCAE] =	vst v7;
	v7 =	vld [tilespmem:$0x680]  }
0x2f: {  	[tilespmem:$0xC29] =	vst v3;
	v3 =	vld [tilespmem:$0x903]  }
0x30: {  	[tilespmem:$0xC4F] =	vst v0;
	v0 =	vld [tilespmem:$0xD80]  }
0x31: {  	[tilespmem:$0xC16] =	vst v4;
	v4 =	vld [tilespmem:$0x780]  }
0x32: {  	[tilespmem:$0xD56] =	vst v2;
	v2 =	vld [tilespmem:$0x880]  }
0x33: {  	[tilespmem:$0xC85] =	vst v6;
	v6 =	vld [tilespmem:$0x500]  }
0x34: {  	[tilespmem:$0xCF7] =	vst v7;
	v7 =	vld [tilespmem:$0x800]  }
0x35: {  	[tilespmem:$0xD59] =	vst v3;
	v3 =	vld [tilespmem:$0x383]  }
0x36: {  	[tilespmem:$0xCFA] =	vst v8;
	v8 =	vld [tilespmem:$0x783]  }
0x37: {  	[tilespmem:$0xD1D] =	vst v4;
	v4 =	vld [tilespmem:$0x803]  }
0x38: {  	[tilespmem:$0xCBE] =	vst v6;
	v6 =	vld [tilespmem:$0x603]  }
0x39: {  	[tilespmem:$0xD30] =	vst v7;
	v7 =	vld [tilespmem:$0x883]  }
0x3a: {  	v0 =	vmul.u32 $0x13, v0;
	[tilespmem:$0xC88] =	vst v3;
	v3 =	vld [tilespmem:$0xD90]  }
0x3b: {  	[tilespmem:$0xD20] =	vst v8;
	v8 =	vld [tilespmem:$0x503]  }
0x3c: {  	v0 =	vadd.s32 v5, v0;
	[tilespmem:$0xD43] =	vst v2  }
0x3d: {  	v1 =	vld [tilespmem:$0xE10];
	[tilespmem:$0xD33] =	vst v4  }
0x3e: {  	[tilespmem:$0xCE7] =	vst v6  }
0x3f: {  	[tilespmem:$0xD46] =	vst v7  }
0x40: {  	s8 =	simm.s32 $0xC00;
	v2 =	vmul.u32 $0x13, v3;
	v3 =	vld [tilespmem:$0xDA0];
	[tilespmem:$0xCC1] =	vst v8  }
0x41: {  	v0 =	vld.idx.msk [tilespmem:v0+s8+$0x0], $0xffff  }
0x42: {  	v1 =	vadd.s32 v1, v2  }
0x43: {  	v2 =	vld [tilespmem:$0xE20];
	_ =	sdelay $0x2  }
0x44: {  	v4 =	vld [tilespmem:$0xDB0];
	v3 =	vmul.u32 $0x13, v3;
	[tilespmem:$0x1080] =	vst v0  }
0x45: {  	v0 =	vld.idx.msk [tilespmem:v1+s8+$0x0], $0xffff  }
0x46: {  	v1 =	vadd.s32 v2, v3  }
0x47: {  	v2 =	vld [tilespmem:$0xE30];
	_ =	sdelay $0x2  }
0x48: {  	v4 =	vmul.u32 $0x13, v4;
	v3 =	vld [tilespmem:$0xDC0];
	[tilespmem:$0x1090] =	vst v0  }
0x49: {  	v0 =	vld.idx.msk [tilespmem:v1+s8+$0x0], $0xffff  }
0x4a: {  	v1 =	vadd.s32 v2, v4  }
0x4b: {  	v2 =	vld [tilespmem:$0xE40];
	_ =	sdelay $0x2  }
0x4c: {  	v3 =	vmul.u32 $0x13, v3;
	v4 =	vld [tilespmem:$0xDD0];
	[tilespmem:$0x10A0] =	vst v0  }
0x4d: {  	v0 =	vld.idx.msk [tilespmem:v1+s8+$0x0], $0xffff  }
0x4e: {  	v1 =	vadd.s32 v2, v3  }
0x4f: {  	v2 =	vld [tilespmem:$0xE50];
	_ =	sdelay $0x2  }
0x50: {  	v4 =	vmul.u32 $0x13, v4;
	v3 =	vld [tilespmem:$0xDE0];
	[tilespmem:$0x10B0] =	vst v0  }
0x51: {  	v0 =	vld.idx.msk [tilespmem:v1+s8+$0x0], $0xffff  }
0x52: {  	v1 =	vadd.s32 v2, v4  }
0x53: {  	v2 =	vld [tilespmem:$0xE60];
	_ =	sdelay $0x2  }
0x54: {  	v3 =	vmul.u32 $0x13, v3;
	v4 =	vld [tilespmem:$0xDF0];
	[tilespmem:$0x10C0] =	vst v0  }
0x55: {  	v0 =	vld.idx.msk [tilespmem:v1+s8+$0x0], $0xffff  }
0x56: {  	v1 =	vadd.s32 v2, v3  }
0x57: {  	v2 =	vld [tilespmem:$0xE70];
	_ =	sdelay $0x2  }
0x58: {  	v4 =	vmul.u32 $0x13, v4;
	v3 =	vld [tilespmem:$0xE80];
	[tilespmem:$0x10D0] =	vst v0  }
0x59: {  	v0 =	vld.idx.msk [tilespmem:v1+s8+$0x0], $0xffff  }
0x5a: {  	v1 =	vadd.s32 v2, v4  }
0x5b: {  	v2 =	vld [tilespmem:$0xF00];
	_ =	sdelay $0x2  }
0x5c: {  	v3 =	vmul.u32 $0x13, v3;
	v4 =	vld [tilespmem:$0xE90];
	[tilespmem:$0x10E0] =	vst v0  }
0x5d: {  	v0 =	vld.idx.msk [tilespmem:v1+s8+$0x0], $0xffff  }
0x5e: {  	v1 =	vadd.s32 v2, v3  }
0x5f: {  	v2 =	vld [tilespmem:$0xF10];
	_ =	sdelay $0x2  }
0x60: {  	v4 =	vmul.u32 $0x13, v4;
	v3 =	vld [tilespmem:$0xEA0];
	[tilespmem:$0x10F0] =	vst v0  }
0x61: {  	v0 =	vld.idx.msk [tilespmem:v1+s8+$0x0], $0xffff  }
0x62: {  	v1 =	vadd.s32 v2, v4  }
0x63: {  	v2 =	vld [tilespmem:$0xF20];
	_ =	sdelay $0x2  }
0x64: {  	v3 =	vmul.u32 $0x13, v3;
	v4 =	vld [tilespmem:$0xEB0];
	[tilespmem:$0x1100] =	vst v0  }
0x65: {  	v0 =	vld.idx.msk [tilespmem:v1+s8+$0x0], $0xffff  }
0x66: {  	v1 =	vadd.s32 v2, v3  }
0x67: {  	v2 =	vld [tilespmem:$0xF30];
	_ =	sdelay $0x2  }
0x68: {  	v4 =	vmul.u32 $0x13, v4;
	v3 =	vld [tilespmem:$0xEC0];
	[tilespmem:$0x1110] =	vst v0  }
0x69: {  	v0 =	vld.idx.msk [tilespmem:v1+s8+$0x0], $0xffff  }
0x6a: {  	v1 =	vadd.s32 v2, v4  }
0x6b: {  	v2 =	vld [tilespmem:$0xF40];
	_ =	sdelay $0x2  }
0x6c: {  	v3 =	vmul.u32 $0x13, v3;
	v4 =	vld [tilespmem:$0xED0];
	[tilespmem:$0x1120] =	vst v0  }
0x6d: {  	v0 =	vld.idx.msk [tilespmem:v1+s8+$0x0], $0xffff  }
0x6e: {  	v1 =	vadd.s32 v2, v3  }
0x6f: {  	v2 =	vld [tilespmem:$0xF50];
	_ =	sdelay $0x2  }
0x70: {  	v4 =	vmul.u32 $0x13, v4;
	v3 =	vld [tilespmem:$0xEE0];
	[tilespmem:$0x1130] =	vst v0  }
0x71: {  	v0 =	vld.idx.msk [tilespmem:v1+s8+$0x0], $0xffff  }
0x72: {  	v1 =	vadd.s32 v2, v4  }
0x73: {  	v2 =	vld [tilespmem:$0xF60];
	_ =	sdelay $0x2  }
0x74: {  	v3 =	vmul.u32 $0x13, v3;
	v4 =	vld [tilespmem:$0xEF0];
	[tilespmem:$0x1140] =	vst v0  }
0x75: {  	v0 =	vld.idx.msk [tilespmem:v1+s8+$0x0], $0xffff  }
0x76: {  	v1 =	vadd.s32 v2, v3  }
0x77: {  	v2 =	vld [tilespmem:$0xF70];
	_ =	sdelay $0x2  }
0x78: {  	v4 =	vmul.u32 $0x13, v4;
	v3 =	vld [tilespmem:$0xF80];
	[tilespmem:$0x1150] =	vst v0  }
0x79: {  	v0 =	vld.idx.msk [tilespmem:v1+s8+$0x0], $0xffff  }
0x7a: {  	v2 =	vadd.s32 v2, v4  }
0x7b: {  	v4 =	vld [tilespmem:$0x1000];
	_ =	sdelay $0x1  }
0x7c: {  	v9 =	vld [tilespmem:$0x1010]  }
0x7d: {  	v3 =	vmul.u32 $0x13, v3;
	v1 =	vld [tilespmem:$0xF90];
	[tilespmem:$0x1160] =	vst v0  }
0x7e: {  	s9 =	ssub.s32 $0x2, s9;
	v0 =	vld.idx.msk [tilespmem:v2+s8+$0x0], $0xffff  }
0x7f: {  	s10 =	sshrl.u32 s9, $0x1;
	v5 =	vld [tilespmem:$0xFA0];
	v4 =	vadd.s32 v4, v3  }
0x80: {  	s9 =	ssub.s32 s9, s10;
	v6 =	vld [tilespmem:$0xFB0]  }
0x81: {  	s10 =	smax.u32 s9, $0x1;
	v7 =	vld [tilespmem:$0xFC0]  }
0x82: {  	p0 =	sne.s32 s10, $0x1;
	v8 =	vld [tilespmem:$0xFC6]  }
.Ltmp1:
0x83: {  	v10 =	vmul.u32 $0x13, v1;
	[tilespmem:$0x1170] =	vst v0;
	(pc) =	sbr.rel @!p0 .LBB2_3-.Ltmp1, $3  }
0x84: {  	v3 =	vmul.u32 $0x13, v5;
	v5 =	vld.idx.msk [tilespmem:v4+s8+$0x0], $0xffff  }
0x85: {  	v4 =	vadd.s32 v9, v10;
	_ =	sdelay $0x1  }
0x86: {  	s9 =	simm.s32 $0x1080;
	s10 =	sadd.s32 $0xFFFFFFFF, s10;
	v1 =	vmul.u32 $0x13, v7;
	v2 =	vmul.u32 $0x13, v6;
	v6 =	vld [tilespmem:$0x1020];
	v0 =	vmul.u32 $0x13, v8  }
.LBB2_2:
0x87: {  	p0 =	sne.s32 s10, $0x1;
	s10 =	sadd.s32 $0xFFFFFFFF, s10  }
0x88: {  	[tilespmem:$0x1180] =	vst v5  }
0x89: {  	v4 =	vld.idx.msk [tilespmem:v4+s8+$0x0], $0xffff;
	_ =	sdelay $0x1  }
0x8a: {  	v3 =	vadd.s32 v6, v3;
	_ =	sdelay $0x1  }
0x8b: {  	v5 =	vld [tilespmem:$0x1030];
	_ =	sdelay $0x1  }
0x8c: {  	[tilespmem:$0x1190] =	vst v4  }
0x8d: {  	v3 =	vld.idx.msk [tilespmem:v3+s8+$0x0], $0xffff;
	_ =	sdelay $0x1  }
0x8e: {  	v2 =	vadd.s32 v5, v2;
	_ =	sdelay $0x1  }
0x8f: {  	v4 =	vld [tilespmem:$0x1040];
	_ =	sdelay $0x1  }
0x90: {  	[tilespmem:$0x11A0] =	vst v3  }
0x91: {  	v2 =	vld.idx.msk [tilespmem:v2+s8+$0x0], $0xffff;
	_ =	sdelay $0x1  }
0x92: {  	v1 =	vadd.s32 v4, v1;
	_ =	sdelay $0x1  }
0x93: {  	v3 =	vld [tilespmem:$0x1046];
	_ =	sdelay $0x1  }
0x94: {  	[tilespmem:$0x11B0] =	vst v2  }
0x95: {  	v1 =	vld.idx.msk [tilespmem:v1+s8+$0x0], $0xffff;
	_ =	sdelay $0x1  }
0x96: {  	v0 =	vadd.s32 v3, v0;
	_ =	sdelay $0x3  }
0x97: {  	[tilespmem:$0x11C0] =	vst v1  }
0x98: {  	v0 =	vld.idx.msk [tilespmem:v0+s8+$0x0], $0xffff;
	_ =	sdelay $0x5  }
0x99: {  	[tilespmem:$0x11C6] =	vst v0  }
0x9a: {  	[hbm4b:s2+s4] =	stream.linear.scatter [tilespmem:s9], [sflag:$0x1], $0x180, $0x38;
	[tilespmem:$0x1200] =	vst v63  }
0x9b: {  	_ =	swait.ge [sflag:s3], $0x180  }
0x9c: {  	[sflag:s3] =	ssyncset.done $0x0  }
0x9d: {  	[sflag:s3] =	ssyncadd.s32 $0xFFFFFE80  }
0x9e: {  	[tilespmem:s4], [sflag:$0x1] =	stream.linear.gather [hbm4b:s6+s4], $0x980, $0x38;
	[tilespmem:$0x1200] =	vst v63  }
0x9f: {  	_ =	swait.ge [sflag:s3], $0x980  }
0xa0: {  	[sflag:s3] =	ssyncset.done $0x0  }
0xa1: {  	[sflag:s3] =	ssyncadd.s32 $0xFFFFF680  }
0xa2: {  	[tilespmem:s7], [sflag:$0x1] =	stream.linear.gather [hbm4b:s5+s4], $0x300, $0x38;
	[tilespmem:$0x1200] =	vst v63  }
0xa3: {  	_ =	swait.ge [sflag:s3], $0x300  }
0xa4: {  	[sflag:s3] =	ssyncset.done $0x0  }
0xa5: {  	[sflag:s3] =	ssyncadd.s32 $0xFFFFFD00  }
0xa6: {  	v0 =	vld [tilespmem:$0x303]  }
0xa7: {  	v1 =	vld [tilespmem:$0x700]  }
0xa8: {  	v2 =	vld [tilespmem:$0x580]  }
0xa9: {  	v3 =	vld [tilespmem:$0x600]  }
0xaa: {  	v4 =	vld [tilespmem:$0x403]  }
0xab: {  	v5 =	vld [tilespmem:$0x480]  }
0xac: {  	v6 =	vld [tilespmem:$0x683]  }
0xad: {  	v7 =	vld [tilespmem:$0x103]  }
0xae: {  	v8 =	vld [tilespmem:$0x400]  }
0xaf: {  	v9 =	vld [tilespmem:$0x283]  }
0xb0: {  	v10 =	vld [tilespmem:$0x583]  }
0xb1: {  	v11 =	vld [tilespmem:$0x300]  }
0xb2: {  	v12 =	vld [tilespmem:$0x203];
	[tilespmem:$0xCE4] =	vst v3  }
0xb3: {  	[tilespmem:$0xC98] =	vst v8;
	v3 =	vld [tilespmem:$0x483]  }
0xb4: {  	v8 =	vld [tilespmem:$0x280];
	[tilespmem:$0xCAB] =	vst v5  }
0xb5: {  	v5 =	vld [tilespmem:$0x180];
	[tilespmem:$0xC9B] =	vst v4  }
0xb6: {  	v4 =	vld [tilespmem:$0x183];
	[tilespmem:$0xC72] =	vst v11  }
0xb7: {  	v11 =	vld [tilespmem:$0x200];
	[tilespmem:$0xC75] =	vst v0  }
0xb8: {  	v0 =	vld [tilespmem:$0x83];
	[tilespmem:$0xCD1] =	vst v2  }
0xb9: {  	v2 =	vld [tilespmem:$0x0];
	[tilespmem:$0xC5F] =	vst v8  }
0xba: {  	v8 =	vld [tilespmem:$0x100];
	[tilespmem:$0xC39] =	vst v5  }
0xbb: {  	v5 =	vld [tilespmem:$0x80];
	[tilespmem:$0xCD4] =	vst v10  }
0xbc: {  	v10 =	vld [tilespmem:$0x3];
	[tilespmem:$0xC62] =	vst v9  }
0xbd: {  	[tilespmem:$0xC3C] =	vst v4;
	v4 =	vld [tilespmem:$0xE00]  }
0xbe: {  	[tilespmem:$0xC00] =	vst v2;
	v2 =	vld [tilespmem:$0xD80]  }
0xbf: {  	[tilespmem:$0xC26] =	vst v8;
	v8 =	vld [tilespmem:$0x380]  }
0xc0: {  	[tilespmem:$0xC13] =	vst v5;
	v5 =	vld [tilespmem:$0x680]  }
0xc1: {  	[tilespmem:$0xC4C] =	vst v11;
	v9 =	vld [tilespmem:$0x780]  }
0xc2: {  	[tilespmem:$0xCAE] =	vst v3;
	v3 =	vld [tilespmem:$0x800]  }
0xc3: {  	[tilespmem:$0xC4F] =	vst v12;
	v11 =	vld [tilespmem:$0x880];
	v2 =	vmul.u32 $0x13, v2  }
0xc4: {  	[tilespmem:$0xC03] =	vst v10;
	v10 =	vld [tilespmem:$0x900]  }
0xc5: {  	[tilespmem:$0xC29] =	vst v7;
	v7 =	vld [tilespmem:$0x503];
	v2 =	vadd.s32 v4, v2  }
0xc6: {  	[tilespmem:$0xC16] =	vst v0;
	v0 =	vld [tilespmem:$0x903]  }
0xc7: {  	[tilespmem:$0xC85] =	vst v8;
	v4 =	vld [tilespmem:$0x783]  }
0xc8: {  	v8 =	vld [tilespmem:$0x500];
	[tilespmem:$0xCF7] =	vst v5  }
0xc9: {  	[tilespmem:$0xCFA] =	vst v6;
	v5 =	vld [tilespmem:$0xD90]  }
0xca: {  	v6 =	vld [tilespmem:$0x703];
	[tilespmem:$0xD56] =	vst v10  }
0xcb: {  	v10 =	vld [tilespmem:$0x383];
	[tilespmem:$0xD59] =	vst v0  }
0xcc: {  	[tilespmem:$0xD0A] =	vst v1;
	v0 =	vld [tilespmem:$0x803]  }
0xcd: {  	[tilespmem:$0xCBE] =	vst v8;
	v1 =	vld [tilespmem:$0x603]  }
0xce: {  	[tilespmem:$0xD1D] =	vst v9;
	v8 =	vld [tilespmem:$0x883];
	v5 =	vmul.u32 $0x13, v5  }
0xcf: {  	[tilespmem:$0xD20] =	vst v4;
	v4 =	vld [tilespmem:$0xDA0]  }
0xd0: {  	[tilespmem:$0xD30] =	vst v3;
	v3 =	vld [tilespmem:$0xDB0]  }
0xd1: {  	[tilespmem:$0xC88] =	vst v10;
	v9 =	vld [tilespmem:$0xDC0]  }
0xd2: {  	[tilespmem:$0xD0D] =	vst v6;
	v6 =	vld [tilespmem:$0xDD0]  }
0xd3: {  	[tilespmem:$0xCE7] =	vst v1;
	v1 =	vld [tilespmem:$0xDE0]  }
0xd4: {  	[tilespmem:$0xD33] =	vst v0;
	v0 =	vmul.u32 $0x13, v4;
	v4 =	vld [tilespmem:$0xDF0]  }
0xd5: {  	[tilespmem:$0xD43] =	vst v11;
	v10 =	vld [tilespmem:$0xE10];
	v3 =	vmul.u32 $0x13, v3  }
0xd6: {  	[tilespmem:$0xD46] =	vst v8;
	v9 =	vmul.u32 $0x13, v9;
	v8 =	vld [tilespmem:$0xE80]  }
0xd7: {  	[tilespmem:$0xCC1] =	vst v7;
	v11 =	vmul.u32 $0x13, v6;
	v6 =	vld [tilespmem:$0xE90]  }
0xd8: {  	v2 =	vld.idx.msk [tilespmem:v2+s8+$0x0], $0xffff;
	v12 =	vmul.u32 $0x13, v1  }
0xd9: {  	v13 =	vmul.u32 $0x13, v4;
	v1 =	vld [tilespmem:$0xEA0]  }
0xda: {  	v4 =	vadd.s32 v10, v5;
	v5 =	vld [tilespmem:$0xEB0]  }
0xdb: {  	v10 =	vmul.u32 $0x13, v8;
	v7 =	vld [tilespmem:$0xEC0]  }
0xdc: {  	v8 =	vld [tilespmem:$0xE20];
	v14 =	vmul.u32 $0x13, v6  }
0xdd: {  	v6 =	vld [tilespmem:$0xED0]  }
0xde: {  	[tilespmem:$0x1080] =	vst v2;
	v15 =	vmul.u32 $0x13, v1;
	v1 =	vld [tilespmem:$0xEE0]  }
0xdf: {  	v2 =	vld.idx.msk [tilespmem:v4+s8+$0x0], $0xffff;
	v16 =	vmul.u32 $0x13, v5  }
0xe0: {  	v17 =	vmul.u32 $0x13, v7;
	v4 =	vld [tilespmem:$0xEF0]  }
0xe1: {  	v0 =	vadd.s32 v8, v0;
	v5 =	vld [tilespmem:$0xF80]  }
0xe2: {  	v8 =	vmul.u32 $0x13, v6;
	v18 =	vld [tilespmem:$0xF90]  }
0xe3: {  	v19 =	vld [tilespmem:$0xE30];
	v7 =	vmul.u32 $0x13, v1  }
0xe4: {  	v1 =	vld [tilespmem:$0xFA0]  }
0xe5: {  	[tilespmem:$0x1090] =	vst v2;
	v6 =	vmul.u32 $0x13, v4;
	v2 =	vld [tilespmem:$0xFB0]  }
0xe6: {  	v0 =	vld.idx.msk [tilespmem:v0+s8+$0x0], $0xffff;
	v5 =	vmul.u32 $0x13, v5  }
0xe7: {  	v4 =	vmul.u32 $0x13, v18;
	v18 =	vld [tilespmem:$0xFC0]  }
0xe8: {  	v19 =	vadd.s32 v19, v3;
	v20 =	vld [tilespmem:$0xFC6]  }
0xe9: {  	v3 =	vmul.u32 $0x13, v1  }
0xea: {  	v21 =	vld [tilespmem:$0xE40];
	v2 =	vmul.u32 $0x13, v2;
	_ =	sdelay $0x1  }
0xeb: {  	[tilespmem:$0x10A0] =	vst v0;
	v1 =	vmul.u32 $0x13, v18  }
0xec: {  	v18 =	vld.idx.msk [tilespmem:v19+s8+$0x0], $0xffff;
	v0 =	vmul.u32 $0x13, v20;
	_ =	sdelay $0x1  }
0xed: {  	v9 =	vadd.s32 v21, v9;
	_ =	sdelay $0x1  }
0xee: {  	v19 =	vld [tilespmem:$0xE50];
	_ =	sdelay $0x1  }
0xef: {  	[tilespmem:$0x10B0] =	vst v18  }
0xf0: {  	v9 =	vld.idx.msk [tilespmem:v9+s8+$0x0], $0xffff;
	_ =	sdelay $0x1  }
0xf1: {  	v11 =	vadd.s32 v19, v11;
	_ =	sdelay $0x1  }
0xf2: {  	v18 =	vld [tilespmem:$0xE60];
	_ =	sdelay $0x1  }
0xf3: {  	[tilespmem:$0x10C0] =	vst v9  }
0xf4: {  	v9 =	vld.idx.msk [tilespmem:v11+s8+$0x0], $0xffff;
	_ =	sdelay $0x1  }
0xf5: {  	v11 =	vadd.s32 v18, v12;
	_ =	sdelay $0x1  }
0xf6: {  	v12 =	vld [tilespmem:$0xE70];
	_ =	sdelay $0x1  }
0xf7: {  	[tilespmem:$0x10D0] =	vst v9  }
0xf8: {  	v9 =	vld.idx.msk [tilespmem:v11+s8+$0x0], $0xffff;
	_ =	sdelay $0x1  }
0xf9: {  	v11 =	vadd.s32 v12, v13;
	_ =	sdelay $0x1  }
0xfa: {  	v12 =	vld [tilespmem:$0xF00];
	_ =	sdelay $0x1  }
0xfb: {  	[tilespmem:$0x10E0] =	vst v9  }
0xfc: {  	v9 =	vld.idx.msk [tilespmem:v11+s8+$0x0], $0xffff;
	_ =	sdelay $0x1  }
0xfd: {  	v10 =	vadd.s32 v12, v10;
	_ =	sdelay $0x1  }
0xfe: {  	v11 =	vld [tilespmem:$0xF10];
	_ =	sdelay $0x1  }
0xff: {  	[tilespmem:$0x10F0] =	vst v9  }
0x100: {  	v9 =	vld.idx.msk [tilespmem:v10+s8+$0x0], $0xffff;
	_ =	sdelay $0x1  }
0x101: {  	v10 =	vadd.s32 v11, v14;
	_ =	sdelay $0x1  }
0x102: {  	v11 =	vld [tilespmem:$0xF20];
	_ =	sdelay $0x1  }
0x103: {  	[tilespmem:$0x1100] =	vst v9  }
0x104: {  	v9 =	vld.idx.msk [tilespmem:v10+s8+$0x0], $0xffff;
	_ =	sdelay $0x1  }
0x105: {  	v10 =	vadd.s32 v11, v15;
	_ =	sdelay $0x1  }
0x106: {  	v11 =	vld [tilespmem:$0xF30];
	_ =	sdelay $0x1  }
0x107: {  	[tilespmem:$0x1110] =	vst v9  }
0x108: {  	v9 =	vld.idx.msk [tilespmem:v10+s8+$0x0], $0xffff;
	_ =	sdelay $0x1  }
0x109: {  	v10 =	vadd.s32 v11, v16;
	_ =	sdelay $0x1  }
0x10a: {  	v11 =	vld [tilespmem:$0xF40];
	_ =	sdelay $0x1  }
0x10b: {  	[tilespmem:$0x1120] =	vst v9  }
0x10c: {  	v9 =	vld.idx.msk [tilespmem:v10+s8+$0x0], $0xffff;
	_ =	sdelay $0x1  }
0x10d: {  	v10 =	vadd.s32 v11, v17;
	_ =	sdelay $0x1  }
0x10e: {  	v11 =	vld [tilespmem:$0xF50];
	_ =	sdelay $0x1  }
0x10f: {  	[tilespmem:$0x1130] =	vst v9  }
0x110: {  	v9 =	vld.idx.msk [tilespmem:v10+s8+$0x0], $0xffff;
	_ =	sdelay $0x1  }
0x111: {  	v8 =	vadd.s32 v11, v8;
	_ =	sdelay $0x1  }
0x112: {  	v10 =	vld [tilespmem:$0xF60];
	_ =	sdelay $0x1  }
0x113: {  	[tilespmem:$0x1140] =	vst v9  }
0x114: {  	v8 =	vld.idx.msk [tilespmem:v8+s8+$0x0], $0xffff;
	_ =	sdelay $0x1  }
0x115: {  	v7 =	vadd.s32 v10, v7;
	_ =	sdelay $0x1  }
0x116: {  	v9 =	vld [tilespmem:$0xF70];
	_ =	sdelay $0x1  }
0x117: {  	[tilespmem:$0x1150] =	vst v8  }
0x118: {  	v7 =	vld.idx.msk [tilespmem:v7+s8+$0x0], $0xffff;
	_ =	sdelay $0x1  }
0x119: {  	v6 =	vadd.s32 v9, v6;
	_ =	sdelay $0x1  }
0x11a: {  	v8 =	vld [tilespmem:$0x1000];
	_ =	sdelay $0x1  }
0x11b: {  	[tilespmem:$0x1160] =	vst v7  }
0x11c: {  	v6 =	vld.idx.msk [tilespmem:v6+s8+$0x0], $0xffff;
	_ =	sdelay $0x1  }
0x11d: {  	v5 =	vadd.s32 v8, v5;
	_ =	sdelay $0x1  }
0x11e: {  	v7 =	vld [tilespmem:$0x1010];
	_ =	sdelay $0x1  }
0x11f: {  	[tilespmem:$0x1170] =	vst v6  }
.Ltmp2:
0x120: {  	v5 =	vld.idx.msk [tilespmem:v5+s8+$0x0], $0xffff;
	(pc) =	sbr.rel @p0 .LBB2_2-.Ltmp2, $3  }
0x121: {  	_ = 	snop  }
0x122: {  	v4 =	vadd.s32 v7, v4;
	_ =	sdelay $0x1  }
0x123: {  	v6 =	vld [tilespmem:$0x1020]  }
.LBB2_3:
0x124: {  	_ =	sdelay $0x2  }
0x125: {  	[tilespmem:$0x1180] =	vst v5  }
0x126: {  	v4 =	vld.idx.msk [tilespmem:v4+s8+$0x0], $0xffff  }
0x127: {  	v3 =	vadd.s32 v6, v3  }
0x128: {  	v61 =	vld [tilespmem:$0x1030];
	_ =	sdelay $0x2  }
0x129: {  	[tilespmem:$0x1190] =	vst v4  }
0x12a: {  	v3 =	vld.idx.msk [tilespmem:v3+s8+$0x0], $0xffff  }
0x12b: {  	v2 =	vadd.s32 v61, v2  }
0x12c: {  	v62 =	vld [tilespmem:$0x1040];
	_ =	sdelay $0x2  }
0x12d: {  	[tilespmem:$0x11A0] =	vst v3  }
0x12e: {  	v2 =	vld.idx.msk [tilespmem:v2+s8+$0x0], $0xffff  }
0x12f: {  	v1 =	vadd.s32 v62, v1  }
0x130: {  	v63 =	vld [tilespmem:$0x1046];
	_ =	sdelay $0x2  }
0x131: {  	[tilespmem:$0x11B0] =	vst v2  }
0x132: {  	v1 =	vld.idx.msk [tilespmem:v1+s8+$0x0], $0xffff  }
0x133: {  	v0 =	vadd.s32 v63, v0;
	_ =	sdelay $0x3  }
0x134: {  	[tilespmem:$0x11C0] =	vst v1  }
0x135: {  	v0 =	vld.idx.msk [tilespmem:v0+s8+$0x0], $0xffff;
	_ =	sdelay $0x4  }
0x136: {  	[tilespmem:$0x11C6] =	vst v0  }
0x137: {  	[hbm4b:s2+s4] =	stream.linear.scatter [tilespmem:s9], [sflag:$0x1], $0x180, $0x38;
	[tilespmem:$0x1200] =	vst v63  }
0x138: {  	_ =	swait.ge [sflag:s3], $0x180  }
0x139: {  	[sflag:s3] =	ssyncset.done $0x0  }
0x13a: {  	[sflag:s3] =	ssyncadd.s32 $0xFFFFFE80  }
.LBB2_4:
0x13b: {  	_ =	sfence.sel $0x180000  }
0x13c: {  	[bflag:$0x0] =	sbarrier.arrive $0xFFFF  }
0x13d: {  	p0 =	sne.s32 s0, $0x0;
	_ =	strace $0x90000047  }
0x13e: {  	s0 =	sadd.s32 @!p0 $0x100000, s1;
	[bflag:$0x2] =	sbarrier.arrive $0xFFFF  }
0x13f: {  	[sflag:s0] =	ssyncadd.tile.s32 @!p0 $0x1;
	_ =	shalt  }
.Lfunc_end2:
_tile_overlayer_lowered:
.L_overlay_start_2:
0x140: {  	(tag) =	ssettag $0x2  }
0x141: {  	s0 =	rddreg [dreg:$0x0];
	s2 =	stileid.u32  }
0x142: {  	s1 =	rddreg [dreg:$0x1];
	p0 =	sne.s32 s2, $0x0  }
0x143: {  	s3 =	rddreg [dreg:$0x2];
	[bflag:$0x3] =	sbarrier.arrive $0xFFFF;
	s2 =	simm.s32 @!p0 $0x1C01  }
0x144: {  	[timem:s3], [sflag:s2] =	dma.local @!p0 [hbm:s0], s1  }
0x145: {  	s0 =	simm.s32 @!p0 $0x1  }
0x146: {  	_ =	swait.ge @!p0 [sflag:s0], s1  }
0x147: {  	s1 =	ssub.s32 @!p0 $0x0, s1;
	[sflag:s0] =	ssyncset.done @!p0 $0x0  }
0x148: {  	[sflag:s0] =	ssyncadd.s32 @!p0 s1  }
0x149: {  	[bflag:$0x3] =	sbarrier.arrive $0xFFFF  }
0x14a: {  	_ =	shalt  }

</sc_bundles>
